<compile_context>
chip_gen: v7x
topology: tpu7x:2x2x1
jax: 0.10.2.dev20260603
libtpu: 0.0.44.dev20260713+nightly
codegen_flags: <defaults>
</compile_context>

<pallas_src>
import functools

import jax
import jax.numpy as jnp
from jax import lax
from jax.experimental import pallas as pl
from jax.experimental.pallas import tpu as pltpu
from jax.experimental.pallas import tpu_sc as plsc

NC = 2
NS = 16
BATCH = 128


def _feat_body(x_ref, w_ref, b_ref, o_ref):
    acc = lax.dot_general(x_ref[...], w_ref[...], (((1,), (1,)), ((), ())),
                          preferred_element_type=jnp.float32)
    o_ref[...] = jnp.maximum(acc + b_ref[...], 0.0)


def _out_body(a_ref, c_ref, f_ref, wl_ref, bl_ref, wr_ref, o_ref):
    agg = a_ref[0] + a_ref[1]
    mean = agg / jnp.maximum(c_ref[...], 1.0)
    o_ref[...] = (
        lax.dot_general(mean, wl_ref[...], (((1,), (1,)), ((), ())),
                        preferred_element_type=jnp.float32)
        + bl_ref[...]
        + lax.dot_general(f_ref[...], wr_ref[...], (((1,), (1,)), ((), ())),
                          preferred_element_type=jnp.float32)
    )


def _make_sc_agg(n_pad, k_chunks, d):
    rows_per_sub = n_pad // NS
    kmax = k_chunks
    mesh = plsc.VectorSubcoreMesh(core_axis_name="c", subcore_axis_name="s")

    @functools.partial(
        pl.kernel,
        mesh=mesh,
        out_type=[
            jax.ShapeDtypeStruct((NC, n_pad, d), jnp.float32),
            jax.ShapeDtypeStruct((n_pad,), jnp.float32),
            jax.ShapeDtypeStruct((n_pad,), jnp.float32),
        ],
        scratch_types=[
            pltpu.VMEM((kmax, BATCH), jnp.int32),
            pltpu.VMEM((BATCH,), jnp.int32),
            pltpu.VMEM((BATCH,), jnp.int32),
            pltpu.VMEM((BATCH,), jnp.int32),
            pltpu.VMEM((BATCH,), jnp.int32),
            pltpu.VMEM((BATCH, d), jnp.float32),
            pltpu.VMEM((BATCH, d), jnp.float32),
            pltpu.VMEM((BATCH,), jnp.float32),
            pltpu.VMEM((rows_per_sub,), jnp.float32),
            pltpu.VMEM_SHARED((n_pad, d), jnp.float32),
            pltpu.VMEM_SHARED((n_pad,), jnp.float32),
            pltpu.SemaphoreType.DMA,
            pltpu.SemaphoreType.DMA,
        ],
    )
    def sc_agg(feat_h, comb0_h,
               agg_h, cnt0_h, cnt1_h,
               comb_v, srcA, dstA, srcB, dstB, rows_v, rows2_v, ones_v,
               cstage_v, acc_sh, cnt_sh, sem, sem2):
        c = lax.axis_index("c")
        s = lax.axis_index("s")
        row0 = s * rows_per_sub
        zv = jnp.zeros((16,), jnp.float32)
        ov = jnp.ones((16,), jnp.float32)

        def zfill(i, carry):
            for cc in range(d // 16):
                rows_v[i, pl.ds(cc * 16, 16)] = zv
            ones_v[pl.ds(i * 16, 16)] = ov
            return carry
        lax.fori_loop(0, BATCH // 16, zfill, 0)

        def zfill2(i, carry):
            for cc in range(d // 16):
                rows_v[i, pl.ds(cc * 16, 16)] = zv
            return carry
        lax.fori_loop(BATCH // 16, BATCH, zfill2, 0)

        full, rem = divmod(rows_per_sub, BATCH)
        for b in range(full):
            pltpu.sync_copy(rows_v, acc_sh.at[pl.ds(row0 + b * BATCH, BATCH)])
        if rem:
            pltpu.sync_copy(rows_v.at[pl.ds(0, rem)],
                            acc_sh.at[pl.ds(row0 + full * BATCH, rem)])
        for b in range(rows_per_sub // BATCH):
            pltpu.sync_copy(rows_v.at[0],
                            cnt_sh.at[pl.ds(row0 + b * BATCH, BATCH)])
        if rows_per_sub % BATCH:
            pltpu.sync_copy(rows_v.at[0, pl.ds(0, rows_per_sub % BATCH)],
                            cnt_sh.at[pl.ds(row0 + full * BATCH,
                                            rows_per_sub % BATCH)])

        plsc.subcore_barrier()

        def prep(j, srci, dsti):
            for b in range(BATCH // 16):
                cmb = comb_v[j, pl.ds(b * 16, 16)]
                srci[pl.ds(b * 16, 16)] = jnp.bitwise_and(cmb, 0xFFFF)
                dsti[pl.ds(b * 16, 16)] = lax.shift_right_logical(cmb, 16)

        def wait_gather(buf, s_):
            pltpu.make_async_copy(feat_h.at[pl.ds(0, BATCH)], buf, s_).wait()

        def scatter(buf, dsti):
            pltpu.sync_copy(buf, acc_sh.at[dsti], add=True)
            pltpu.sync_copy(ones_v, cnt_sh.at[dsti], add=True)

        pltpu.sync_copy(comb0_h.at[c, s], comb_v)
        prep(0, srcA, dstA)
        pltpu.async_copy(feat_h.at[srcA], rows_v, sem)

        def pair(jj, carry):
            j0 = 2 * jj
            prep(j0 + 1, srcB, dstB)
            pltpu.async_copy(feat_h.at[srcB], rows2_v, sem2)
            wait_gather(rows_v, sem)
            scatter(rows_v, dstA)

            @pl.when(j0 + 2 < kmax)
            def _():
                prep(j0 + 2, srcA, dstA)
                pltpu.async_copy(feat_h.at[srcA], rows_v, sem)
            wait_gather(rows2_v, sem2)
            scatter(rows2_v, dstB)
            return carry

        lax.fori_loop(0, kmax // 2, pair, 0)
        if kmax % 2:
            wait_gather(rows_v, sem)
            scatter(rows_v, dstA)
        plsc.subcore_barrier()
        pltpu.sync_copy(acc_sh.at[pl.ds(row0, rows_per_sub)],
                        agg_h.at[c, pl.ds(row0, rows_per_sub)])

        pltpu.sync_copy(cnt_sh.at[pl.ds(row0, rows_per_sub)], cstage_v)

        @pl.when(c == 0)
        def _():
            pltpu.sync_copy(cstage_v, cnt0_h.at[pl.ds(row0, rows_per_sub)])

        @pl.when(c == 1)
        def _():
            pltpu.sync_copy(cstage_v, cnt1_h.at[pl.ds(row0, rows_per_sub)])

    return sc_agg


def kernel(x, edge_index, W_in, b_in, W_l, b_l, W_r):
    n, d = x.shape
    h = W_in.shape[0]
    e = edge_index.shape[1]

    bn = 2000
    grid1 = n // bn
    feat = pl.pallas_call(
        _feat_body,
        grid=(grid1,),
        in_specs=[
            pl.BlockSpec((bn, d), lambda i: (i, 0)),
            pl.BlockSpec((h, d), lambda i: (0, 0)),
            pl.BlockSpec((1, h), lambda i: (0, 0)),
        ],
        out_specs=pl.BlockSpec((bn, h), lambda i: (i, 0)),
        out_shape=jax.ShapeDtypeStruct((n, h), jnp.float32),
    )(x, W_in, b_in.reshape(1, h))

    nw = NC * NS
    k_chunks = -(-e // (nw * BATCH))
    e_pad = nw * k_chunks * BATCH
    n_pad = -(-(n + 1) // 256) * 256

    src = edge_index[0]
    dst = edge_index[1]
    pad = e_pad - e
    src_p = jnp.concatenate([src, jnp.zeros((pad,), jnp.int32)])
    dst_p = jnp.concatenate(
        [dst, n + (jnp.arange(pad, dtype=jnp.int32) % (n_pad - n))])
    comb = (src_p | (dst_p << 16)).reshape(NC, NS, k_chunks, BATCH)

    sc_agg = _make_sc_agg(n_pad, k_chunks, h)
    agg_parts, cnt0, cnt1 = sc_agg(feat, comb)

    cnt_nodes = (cnt0 + cnt1)[:n].reshape(n, 1)

    out_feat = pl.pallas_call(
        _out_body,
        grid=(grid1,),
        in_specs=[
            pl.BlockSpec((NC, bn, h), lambda i: (0, i, 0)),
            pl.BlockSpec((bn, 1), lambda i: (i, 0)),
            pl.BlockSpec((bn, h), lambda i: (i, 0)),
            pl.BlockSpec((h, h), lambda i: (0, 0)),
            pl.BlockSpec((1, h), lambda i: (0, 0)),
            pl.BlockSpec((h, h), lambda i: (0, 0)),
        ],
        out_specs=pl.BlockSpec((bn, h), lambda i: (i, 0)),
        out_shape=jax.ShapeDtypeStruct((n, h), jnp.float32),
    )(agg_parts, cnt_nodes, feat, W_l, b_l.reshape(1, h), W_r)

    return (feat, out_feat)

# --- scband reference (transcript-rebuilt; emitter-appended) ---
"""Pipeline reference for scband-vanilla-stellar-encoder-69690139345316 (READ-ONLY COPY).

The authoritative reference and input builder live on the scoring server;
editing this copy changes nothing except your own understanding.
"""

import jax, jax.numpy as jnp
import numpy as np

N = 10000
E = 320000
D = 128
H = 128


def setup_inputs(seed: int = 0) -> dict:
    key = jax.random.key(seed)
    ks = jax.random.split(key, 8)
    x = jax.random.normal(ks[0], (N, D), dtype=jnp.float32)
    edge_index = jax.random.randint(ks[1], (2, E), 0, N, dtype=jnp.int32)
    # input_linear: Linear(input_dim=128, hid_dim=128)
    W_in = jax.random.normal(ks[2], (H, D), dtype=jnp.float32) * (1.0 / np.sqrt(D))
    b_in = jnp.zeros((H,), dtype=jnp.float32)
    # SAGEConv(hid_dim, hid_dim): lin_l applied to mean-aggregated neighbors (with bias),
    # lin_r applied to root/self features (no bias), matching PyG defaults.
    W_l = jax.random.normal(ks[3], (H, H), dtype=jnp.float32) * (1.0 / np.sqrt(H))
    b_l = jnp.zeros((H,), dtype=jnp.float32)
    W_r = jax.random.normal(ks[4], (H, H), dtype=jnp.float32) * (1.0 / np.sqrt(H))
    return {"x": x, "edge_index": edge_index, "W_in": W_in, "b_in": b_in,
            "W_l": W_l, "b_l": b_l, "W_r": W_r}


def reference(x, edge_index, W_in, b_in, W_l, b_l, W_r):
    # feat = relu(input_linear(x))
    feat = jax.nn.relu(x @ W_in.T + b_in)
    # SAGEConv with mean aggregation: messages flow src -> dst
    src = edge_index[0]
    dst = edge_index[1]
    msg = jnp.take(feat, src, axis=0)                      # gather
    agg_sum = jax.ops.segment_sum(msg, dst, num_segments=N)  # scatter-add
    cnt = jax.ops.segment_sum(jnp.ones((E, 1), dtype=jnp.float32), dst, num_segments=N)
    agg_mean = agg_sum / jnp.maximum(cnt, 1.0)
    out_feat = agg_mean @ W_l.T + b_l + feat @ W_r.T
    return (feat, out_feat)

if __name__ == "__main__":
    import jax
    _d = setup_inputs()
    print(jax.jit(kernel)(*tuple(_d.values())))

</pallas_src>

<mosaic_0001>
#map = affine_map<(d0, d1) -> (0, 0)>
#map1 = affine_map<(d0, d1) -> (0, 0, 0, 0)>
#map2 = affine_map<(d0, d1) -> (0, 0, 0)>
#map3 = affine_map<(d0, d1) -> (0)>
module attributes {stable_mosaic.version = 14 : i64} {
  func.func @sc_agg(%arg0: i32, %arg1: i32, %arg2: memref<10000x128xf32, #tpu.memory_space<hbm>>, %arg3: memref<2x16x79x128xi32, #tpu.memory_space<hbm>>, %arg4: memref<2x10240x128xf32, #tpu.memory_space<hbm>>, %arg5: memref<10240xf32, #tpu.memory_space<hbm>>, %arg6: memref<10240xf32, #tpu.memory_space<hbm>>, %arg7: memref<79x128xi32, #tpu.memory_space<vmem>>, %arg8: memref<128xi32, #tpu.memory_space<vmem>>, %arg9: memref<128xi32, #tpu.memory_space<vmem>>, %arg10: memref<128xi32, #tpu.memory_space<vmem>>, %arg11: memref<128xi32, #tpu.memory_space<vmem>>, %arg12: memref<128x128xf32, #tpu.memory_space<vmem>>, %arg13: memref<128x128xf32, #tpu.memory_space<vmem>>, %arg14: memref<128xf32, #tpu.memory_space<vmem>>, %arg15: memref<640xf32, #tpu.memory_space<vmem>>, %arg16: memref<10240x128xf32, #tpu.memory_space<vmem_shared>>, %arg17: memref<10240xf32, #tpu.memory_space<vmem_shared>>, %arg18: memref<!tpu.dma_semaphore, #tpu.memory_space<semaphore_mem>>, %arg19: memref<!tpu.dma_semaphore, #tpu.memory_space<semaphore_mem>>) attributes {dimension_semantics = [#tpu.dimension_semantics<core_parallel>, #tpu.dimension_semantics<subcore_parallel>], iteration_bounds = array<i64: 2, 16>, scalar_prefetch = 0 : i64, scratch_operands = 13 : i64, tpu.core_type = #tpu.core_type<sc_vector_subcore>, window_params = [{transform_indices = #map}, {transform_indices = #map1}, {transform_indices = #map2}, {transform_indices = #map3}, {transform_indices = #map3}]} {
    %mul3A = arith.constant 640 : i32
    %mul3A_0 = arith.muli %arg1, %mul3A : i32
    %broadcast_in_dim3A = arith.constant 0.000000e+00 : f32
    %broadcast_in_dim3A_1 = vector.broadcast %broadcast_in_dim3A : f32 to vector<16xf32>
    %broadcast_in_dim3A_2 = arith.constant 1.000000e+00 : f32
    %broadcast_in_dim3A_3 = vector.broadcast %broadcast_in_dim3A_2 : f32 to vector<16xf32>
    %scan3A = arith.constant 0 : i32
    %scan3A_4 = arith.constant 0 : i32
    %scan3A_5 = arith.constant 8 : i32
    %scan3A_6 = arith.addi %scan3A_4, %scan3A_5 : i32
    %scan3A_7 = arith.constant 1 : i32
    scf.for %scan3A_207 = %scan3A_4 to %scan3A_6 step %scan3A_7  : i32 {
      %swap3A_208 = arith.index_cast %scan3A_207 : i32 to index
      %swap3A_209 = arith.constant 0 : index
      %swap3A_210 = tpu.vector_load %arg12[%swap3A_208, %swap3A_209] {strides = array<i32>} : memref<128x128xf32, #tpu.memory_space<vmem>>, vector<1x16xf32>,
      %swap3A_211 = vector.shape_cast %swap3A_210 : vector<1x16xf32> to vector<16xf32>
      %swap3A_212 = vector.shape_cast %broadcast_in_dim3A_1 : vector<16xf32> to vector<1x16xf32>
      tpu.vector_store %arg12[%swap3A_208, %swap3A_209], %swap3A_212 {strides = array<i32>} : memref<128x128xf32, #tpu.memory_space<vmem>>, vector<1x16xf32>,
      %swap3A_213 = arith.index_cast %scan3A_207 : i32 to index
      %swap3A_214 = arith.constant 16 : index
      %swap3A_215 = tpu.vector_load %arg12[%swap3A_213, %swap3A_214] {strides = array<i32>} : memref<128x128xf32, #tpu.memory_space<vmem>>, vector<1x16xf32>,
      %swap3A_216 = vector.shape_cast %swap3A_215 : vector<1x16xf32> to vector<16xf32>
      %swap3A_217 = vector.shape_cast %broadcast_in_dim3A_1 : vector<16xf32> to vector<1x16xf32>
      tpu.vector_store %arg12[%swap3A_213, %swap3A_214], %swap3A_217 {strides = array<i32>} : memref<128x128xf32, #tpu.memory_space<vmem>>, vector<1x16xf32>,
      %swap3A_218 = arith.index_cast %scan3A_207 : i32 to index
      %swap3A_219 = arith.constant 32 : index
      %swap3A_220 = tpu.vector_load %arg12[%swap3A_218, %swap3A_219] {strides = array<i32>} : memref<128x128xf32, #tpu.memory_space<vmem>>, vector<1x16xf32>,
      %swap3A_221 = vector.shape_cast %swap3A_220 : vector<1x16xf32> to vector<16xf32>
      %swap3A_222 = vector.shape_cast %broadcast_in_dim3A_1 : vector<16xf32> to vector<1x16xf32>
      tpu.vector_store %arg12[%swap3A_218, %swap3A_219], %swap3A_222 {strides = array<i32>} : memref<128x128xf32, #tpu.memory_space<vmem>>, vector<1x16xf32>,
      %swap3A_223 = arith.index_cast %scan3A_207 : i32 to index
      %swap3A_224 = arith.constant 48 : index
      %swap3A_225 = tpu.vector_load %arg12[%swap3A_223, %swap3A_224] {strides = array<i32>} : memref<128x128xf32, #tpu.memory_space<vmem>>, vector<1x16xf32>,
      %swap3A_226 = vector.shape_cast %swap3A_225 : vector<1x16xf32> to vector<16xf32>
      %swap3A_227 = vector.shape_cast %broadcast_in_dim3A_1 : vector<16xf32> to vector<1x16xf32>
      tpu.vector_store %arg12[%swap3A_223, %swap3A_224], %swap3A_227 {strides = array<i32>} : memref<128x128xf32, #tpu.memory_space<vmem>>, vector<1x16xf32>,
      %swap3A_228 = arith.index_cast %scan3A_207 : i32 to index
      %swap3A_229 = arith.constant 64 : index
      %swap3A_230 = tpu.vector_load %arg12[%swap3A_228, %swap3A_229] {strides = array<i32>} : memref<128x128xf32, #tpu.memory_space<vmem>>, vector<1x16xf32>,
      %swap3A_231 = vector.shape_cast %swap3A_230 : vector<1x16xf32> to vector<16xf32>
      %swap3A_232 = vector.shape_cast %broadcast_in_dim3A_1 : vector<16xf32> to vector<1x16xf32>
      tpu.vector_store %arg12[%swap3A_228, %swap3A_229], %swap3A_232 {strides = array<i32>} : memref<128x128xf32, #tpu.memory_space<vmem>>, vector<1x16xf32>,
      %swap3A_233 = arith.index_cast %scan3A_207 : i32 to index
      %swap3A_234 = arith.constant 80 : index
      %swap3A_235 = tpu.vector_load %arg12[%swap3A_233, %swap3A_234] {strides = array<i32>} : memref<128x128xf32, #tpu.memory_space<vmem>>, vector<1x16xf32>,
      %swap3A_236 = vector.shape_cast %swap3A_235 : vector<1x16xf32> to vector<16xf32>
      %swap3A_237 = vector.shape_cast %broadcast_in_dim3A_1 : vector<16xf32> to vector<1x16xf32>
      tpu.vector_store %arg12[%swap3A_233, %swap3A_234], %swap3A_237 {strides = array<i32>} : memref<128x128xf32, #tpu.memory_space<vmem>>, vector<1x16xf32>,
      %swap3A_238 = arith.index_cast %scan3A_207 : i32 to index
      %swap3A_239 = arith.constant 96 : index
      %swap3A_240 = tpu.vector_load %arg12[%swap3A_238, %swap3A_239] {strides = array<i32>} : memref<128x128xf32, #tpu.memory_space<vmem>>, vector<1x16xf32>,
      %swap3A_241 = vector.shape_cast %swap3A_240 : vector<1x16xf32> to vector<16xf32>
      %swap3A_242 = vector.shape_cast %broadcast_in_dim3A_1 : vector<16xf32> to vector<1x16xf32>
      tpu.vector_store %arg12[%swap3A_238, %swap3A_239], %swap3A_242 {strides = array<i32>} : memref<128x128xf32, #tpu.memory_space<vmem>>, vector<1x16xf32>,
      %swap3A_243 = arith.index_cast %scan3A_207 : i32 to index
      %swap3A_244 = arith.constant 112 : index
      %swap3A_245 = tpu.vector_load %arg12[%swap3A_243, %swap3A_244] {strides = array<i32>} : memref<128x128xf32, #tpu.memory_space<vmem>>, vector<1x16xf32>,
      %swap3A_246 = vector.shape_cast %swap3A_245 : vector<1x16xf32> to vector<16xf32>
      %swap3A_247 = vector.shape_cast %broadcast_in_dim3A_1 : vector<16xf32> to vector<1x16xf32>
      tpu.vector_store %arg12[%swap3A_243, %swap3A_244], %swap3A_247 {strides = array<i32>} : memref<128x128xf32, #tpu.memory_space<vmem>>, vector<1x16xf32>,
      %mul3A_248 = arith.constant 16 : i32
      %mul3A_249 = arith.muli %scan3A_207, %mul3A_248 : i32
      %swap3A_250 = arith.index_cast %mul3A_249 : i32 to index
      %swap3A_251 = tpu.vector_load %arg14[%swap3A_250] {strides = array<i32>} : memref<128xf32, #tpu.memory_space<vmem>>, vector<16xf32>,
      %swap3A_252 = vector.shape_cast %swap3A_251 : vector<16xf32> to vector<16xf32>
      %swap3A_253 = vector.shape_cast %broadcast_in_dim3A_3 : vector<16xf32> to vector<16xf32>
      tpu.vector_store %arg14[%swap3A_250], %swap3A_253 {strides = array<i32>} : memref<128xf32, #tpu.memory_space<vmem>>, vector<16xf32>,
    }
    %scan3A_8 = arith.constant 8 : i32
    %scan3A_9 = arith.constant 0 : i32
    %scan3A_10 = arith.constant 8 : i32
    %scan3A_11 = arith.constant 120 : i32
    %scan3A_12 = arith.addi %scan3A_10, %scan3A_11 : i32
    %scan3A_13 = arith.constant 1 : i32
    scf.for %scan3A_207 = %scan3A_10 to %scan3A_12 step %scan3A_13  : i32 {
      %swap3A_208 = arith.index_cast %scan3A_207 : i32 to index
      %swap3A_209 = arith.constant 0 : index
      %swap3A_210 = tpu.vector_load %arg12[%swap3A_208, %swap3A_209] {strides = array<i32>} : memref<128x128xf32, #tpu.memory_space<vmem>>, vector<1x16xf32>,
      %swap3A_211 = vector.shape_cast %swap3A_210 : vector<1x16xf32> to vector<16xf32>
      %swap3A_212 = vector.shape_cast %broadcast_in_dim3A_1 : vector<16xf32> to vector<1x16xf32>
      tpu.vector_store %arg12[%swap3A_208, %swap3A_209], %swap3A_212 {strides = array<i32>} : memref<128x128xf32, #tpu.memory_space<vmem>>, vector<1x16xf32>,
      %swap3A_213 = arith.index_cast %scan3A_207 : i32 to index
      %swap3A_214 = arith.constant 16 : index
      %swap3A_215 = tpu.vector_load %arg12[%swap3A_213, %swap3A_214] {strides = array<i32>} : memref<128x128xf32, #tpu.memory_space<vmem>>, vector<1x16xf32>,
      %swap3A_216 = vector.shape_cast %swap3A_215 : vector<1x16xf32> to vector<16xf32>
      %swap3A_217 = vector.shape_cast %broadcast_in_dim3A_1 : vector<16xf32> to vector<1x16xf32>
      tpu.vector_store %arg12[%swap3A_213, %swap3A_214], %swap3A_217 {strides = array<i32>} : memref<128x128xf32, #tpu.memory_space<vmem>>, vector<1x16xf32>,
      %swap3A_218 = arith.index_cast %scan3A_207 : i32 to index
      %swap3A_219 = arith.constant 32 : index
      %swap3A_220 = tpu.vector_load %arg12[%swap3A_218, %swap3A_219] {strides = array<i32>} : memref<128x128xf32, #tpu.memory_space<vmem>>, vector<1x16xf32>,
      %swap3A_221 = vector.shape_cast %swap3A_220 : vector<1x16xf32> to vector<16xf32>
      %swap3A_222 = vector.shape_cast %broadcast_in_dim3A_1 : vector<16xf32> to vector<1x16xf32>
      tpu.vector_store %arg12[%swap3A_218, %swap3A_219], %swap3A_222 {strides = array<i32>} : memref<128x128xf32, #tpu.memory_space<vmem>>, vector<1x16xf32>,
      %swap3A_223 = arith.index_cast %scan3A_207 : i32 to index
      %swap3A_224 = arith.constant 48 : index
      %swap3A_225 = tpu.vector_load %arg12[%swap3A_223, %swap3A_224] {strides = array<i32>} : memref<128x128xf32, #tpu.memory_space<vmem>>, vector<1x16xf32>,
      %swap3A_226 = vector.shape_cast %swap3A_225 : vector<1x16xf32> to vector<16xf32>
      %swap3A_227 = vector.shape_cast %broadcast_in_dim3A_1 : vector<16xf32> to vector<1x16xf32>
      tpu.vector_store %arg12[%swap3A_223, %swap3A_224], %swap3A_227 {strides = array<i32>} : memref<128x128xf32, #tpu.memory_space<vmem>>, vector<1x16xf32>,
      %swap3A_228 = arith.index_cast %scan3A_207 : i32 to index
      %swap3A_229 = arith.constant 64 : index
      %swap3A_230 = tpu.vector_load %arg12[%swap3A_228, %swap3A_229] {strides = array<i32>} : memref<128x128xf32, #tpu.memory_space<vmem>>, vector<1x16xf32>,
      %swap3A_231 = vector.shape_cast %swap3A_230 : vector<1x16xf32> to vector<16xf32>
      %swap3A_232 = vector.shape_cast %broadcast_in_dim3A_1 : vector<16xf32> to vector<1x16xf32>
      tpu.vector_store %arg12[%swap3A_228, %swap3A_229], %swap3A_232 {strides = array<i32>} : memref<128x128xf32, #tpu.memory_space<vmem>>, vector<1x16xf32>,
      %swap3A_233 = arith.index_cast %scan3A_207 : i32 to index
      %swap3A_234 = arith.constant 80 : index
      %swap3A_235 = tpu.vector_load %arg12[%swap3A_233, %swap3A_234] {strides = array<i32>} : memref<128x128xf32, #tpu.memory_space<vmem>>, vector<1x16xf32>,
      %swap3A_236 = vector.shape_cast %swap3A_235 : vector<1x16xf32> to vector<16xf32>
      %swap3A_237 = vector.shape_cast %broadcast_in_dim3A_1 : vector<16xf32> to vector<1x16xf32>
      tpu.vector_store %arg12[%swap3A_233, %swap3A_234], %swap3A_237 {strides = array<i32>} : memref<128x128xf32, #tpu.memory_space<vmem>>, vector<1x16xf32>,
      %swap3A_238 = arith.index_cast %scan3A_207 : i32 to index
      %swap3A_239 = arith.constant 96 : index
      %swap3A_240 = tpu.vector_load %arg12[%swap3A_238, %swap3A_239] {strides = array<i32>} : memref<128x128xf32, #tpu.memory_space<vmem>>, vector<1x16xf32>,
      %swap3A_241 = vector.shape_cast %swap3A_240 : vector<1x16xf32> to vector<16xf32>
      %swap3A_242 = vector.shape_cast %broadcast_in_dim3A_1 : vector<16xf32> to vector<1x16xf32>
      tpu.vector_store %arg12[%swap3A_238, %swap3A_239], %swap3A_242 {strides = array<i32>} : memref<128x128xf32, #tpu.memory_space<vmem>>, vector<1x16xf32>,
      %swap3A_243 = arith.index_cast %scan3A_207 : i32 to index
      %swap3A_244 = arith.constant 112 : index
      %swap3A_245 = tpu.vector_load %arg12[%swap3A_243, %swap3A_244] {strides = array<i32>} : memref<128x128xf32, #tpu.memory_space<vmem>>, vector<1x16xf32>,
      %swap3A_246 = vector.shape_cast %swap3A_245 : vector<1x16xf32> to vector<16xf32>
      %swap3A_247 = vector.shape_cast %broadcast_in_dim3A_1 : vector<16xf32> to vector<1x16xf32>
      tpu.vector_store %arg12[%swap3A_243, %swap3A_244], %swap3A_247 {strides = array<i32>} : memref<128x128xf32, #tpu.memory_space<vmem>>, vector<1x16xf32>,
    }
    %scan3A_14 = arith.constant 120 : i32
    %add3A = arith.constant 0 : i32
    %add3A_15 = arith.addi %mul3A_0, %add3A : i32
    "tpu.region"() ({
      %run_scoped3A_207 = tpu.sem_alloc : memref<!tpu.dma_semaphore, #tpu.memory_space<semaphore_mem>>
      %dma_start3A_208 = arith.constant 0 : i32
      %dma_start3A_209 = tpu.memref_slice %arg16[%add3A_15, %dma_start3A_208] : memref<10240x128xf32, #tpu.memory_space<vmem_shared>> -> memref<128x128xf32, #tpu.memory_space<vmem_shared>>
      %dma_start3A_210 = arith.constant 0 : i32
      %dma_start3A_211 = tpu.memref_slice %arg16[%add3A_15, %dma_start3A_210] : memref<10240x128xf32, #tpu.memory_space<vmem_shared>> -> memref<128x128xf32, #tpu.memory_space<vmem_shared>>
      tpu.enqueue_dma source(%arg12 : memref<128x128xf32, #tpu.memory_space<vmem>>) target(%dma_start3A_211 : memref<128x128xf32, #tpu.memory_space<vmem_shared>>) target_semaphore(%run_scoped3A_207 : memref<!tpu.dma_semaphore, #tpu.memory_space<semaphore_mem>>)
      %dma_wait3A_212 = arith.constant 0 : i32
      %dma_wait3A_213 = tpu.memref_slice %arg16[%add3A_15, %dma_wait3A_212] : memref<10240x128xf32, #tpu.memory_space<vmem_shared>> -> memref<128x128xf32, #tpu.memory_space<vmem_shared>>
      %dma_wait3A_214 = arith.constant 0 : i32
      %dma_wait3A_215 = tpu.memref_slice %arg16[%add3A_15, %dma_wait3A_214] : memref<10240x128xf32, #tpu.memory_space<vmem_shared>> -> memref<128x128xf32, #tpu.memory_space<vmem_shared>>
      tpu.wait_dma2 semaphore(%run_scoped3A_207 : memref<!tpu.dma_semaphore, #tpu.memory_space<semaphore_mem>>) src(%arg12 : memref<128x128xf32, #tpu.memory_space<vmem>>) dst(%dma_wait3A_215 : memref<128x128xf32, #tpu.memory_space<vmem_shared>>)
      tpu.yield
    }) : () -> ()
    %add3A_16 = arith.constant 128 : i32
    %add3A_17 = arith.addi %mul3A_0, %add3A_16 : i32
    "tpu.region"() ({
      %run_scoped3A_207 = tpu.sem_alloc : memref<!tpu.dma_semaphore, #tpu.memory_space<semaphore_mem>>
      %dma_start3A_208 = arith.constant 0 : i32
      %dma_start3A_209 = tpu.memref_slice %arg16[%add3A_17, %dma_start3A_208] : memref<10240x128xf32, #tpu.memory_space<vmem_shared>> -> memref<128x128xf32, #tpu.memory_space<vmem_shared>>
      %dma_start3A_210 = arith.constant 0 : i32
      %dma_start3A_211 = tpu.memref_slice %arg16[%add3A_17, %dma_start3A_210] : memref<10240x128xf32, #tpu.memory_space<vmem_shared>> -> memref<128x128xf32, #tpu.memory_space<vmem_shared>>
      tpu.enqueue_dma source(%arg12 : memref<128x128xf32, #tpu.memory_space<vmem>>) target(%dma_start3A_211 : memref<128x128xf32, #tpu.memory_space<vmem_shared>>) target_semaphore(%run_scoped3A_207 : memref<!tpu.dma_semaphore, #tpu.memory_space<semaphore_mem>>)
      %dma_wait3A_212 = arith.constant 0 : i32
      %dma_wait3A_213 = tpu.memref_slice %arg16[%add3A_17, %dma_wait3A_212] : memref<10240x128xf32, #tpu.memory_space<vmem_shared>> -> memref<128x128xf32, #tpu.memory_space<vmem_shared>>
      %dma_wait3A_214 = arith.constant 0 : i32
      %dma_wait3A_215 = tpu.memref_slice %arg16[%add3A_17, %dma_wait3A_214] : memref<10240x128xf32, #tpu.memory_space<vmem_shared>> -> memref<128x128xf32, #tpu.memory_space<vmem_shared>>
      tpu.wait_dma2 semaphore(%run_scoped3A_207 : memref<!tpu.dma_semaphore, #tpu.memory_space<semaphore_mem>>) src(%arg12 : memref<128x128xf32, #tpu.memory_space<vmem>>) dst(%dma_wait3A_215 : memref<128x128xf32, #tpu.memory_space<vmem_shared>>)
      tpu.yield
    }) : () -> ()
    %add3A_18 = arith.constant 256 : i32
    %add3A_19 = arith.addi %mul3A_0, %add3A_18 : i32
    "tpu.region"() ({
      %run_scoped3A_207 = tpu.sem_alloc : memref<!tpu.dma_semaphore, #tpu.memory_space<semaphore_mem>>
      %dma_start3A_208 = arith.constant 0 : i32
      %dma_start3A_209 = tpu.memref_slice %arg16[%add3A_19, %dma_start3A_208] : memref<10240x128xf32, #tpu.memory_space<vmem_shared>> -> memref<128x128xf32, #tpu.memory_space<vmem_shared>>
      %dma_start3A_210 = arith.constant 0 : i32
      %dma_start3A_211 = tpu.memref_slice %arg16[%add3A_19, %dma_start3A_210] : memref<10240x128xf32, #tpu.memory_space<vmem_shared>> -> memref<128x128xf32, #tpu.memory_space<vmem_shared>>
      tpu.enqueue_dma source(%arg12 : memref<128x128xf32, #tpu.memory_space<vmem>>) target(%dma_start3A_211 : memref<128x128xf32, #tpu.memory_space<vmem_shared>>) target_semaphore(%run_scoped3A_207 : memref<!tpu.dma_semaphore, #tpu.memory_space<semaphore_mem>>)
      %dma_wait3A_212 = arith.constant 0 : i32
      %dma_wait3A_213 = tpu.memref_slice %arg16[%add3A_19, %dma_wait3A_212] : memref<10240x128xf32, #tpu.memory_space<vmem_shared>> -> memref<128x128xf32, #tpu.memory_space<vmem_shared>>
      %dma_wait3A_214 = arith.constant 0 : i32
      %dma_wait3A_215 = tpu.memref_slice %arg16[%add3A_19, %dma_wait3A_214] : memref<10240x128xf32, #tpu.memory_space<vmem_shared>> -> memref<128x128xf32, #tpu.memory_space<vmem_shared>>
      tpu.wait_dma2 semaphore(%run_scoped3A_207 : memref<!tpu.dma_semaphore, #tpu.memory_space<semaphore_mem>>) src(%arg12 : memref<128x128xf32, #tpu.memory_space<vmem>>) dst(%dma_wait3A_215 : memref<128x128xf32, #tpu.memory_space<vmem_shared>>)
      tpu.yield
    }) : () -> ()
    %add3A_20 = arith.constant 384 : i32
    %add3A_21 = arith.addi %mul3A_0, %add3A_20 : i32
    "tpu.region"() ({
      %run_scoped3A_207 = tpu.sem_alloc : memref<!tpu.dma_semaphore, #tpu.memory_space<semaphore_mem>>
      %dma_start3A_208 = arith.constant 0 : i32
      %dma_start3A_209 = tpu.memref_slice %arg16[%add3A_21, %dma_start3A_208] : memref<10240x128xf32, #tpu.memory_space<vmem_shared>> -> memref<128x128xf32, #tpu.memory_space<vmem_shared>>
      %dma_start3A_210 = arith.constant 0 : i32
      %dma_start3A_211 = tpu.memref_slice %arg16[%add3A_21, %dma_start3A_210] : memref<10240x128xf32, #tpu.memory_space<vmem_shared>> -> memref<128x128xf32, #tpu.memory_space<vmem_shared>>
      tpu.enqueue_dma source(%arg12 : memref<128x128xf32, #tpu.memory_space<vmem>>) target(%dma_start3A_211 : memref<128x128xf32, #tpu.memory_space<vmem_shared>>) target_semaphore(%run_scoped3A_207 : memref<!tpu.dma_semaphore, #tpu.memory_space<semaphore_mem>>)
      %dma_wait3A_212 = arith.constant 0 : i32
      %dma_wait3A_213 = tpu.memref_slice %arg16[%add3A_21, %dma_wait3A_212] : memref<10240x128xf32, #tpu.memory_space<vmem_shared>> -> memref<128x128xf32, #tpu.memory_space<vmem_shared>>
      %dma_wait3A_214 = arith.constant 0 : i32
      %dma_wait3A_215 = tpu.memref_slice %arg16[%add3A_21, %dma_wait3A_214] : memref<10240x128xf32, #tpu.memory_space<vmem_shared>> -> memref<128x128xf32, #tpu.memory_space<vmem_shared>>
      tpu.wait_dma2 semaphore(%run_scoped3A_207 : memref<!tpu.dma_semaphore, #tpu.memory_space<semaphore_mem>>) src(%arg12 : memref<128x128xf32, #tpu.memory_space<vmem>>) dst(%dma_wait3A_215 : memref<128x128xf32, #tpu.memory_space<vmem_shared>>)
      tpu.yield
    }) : () -> ()
    %add3A_22 = arith.constant 512 : i32
    %add3A_23 = arith.addi %mul3A_0, %add3A_22 : i32
    "tpu.region"() ({
      %run_scoped3A_207 = tpu.sem_alloc : memref<!tpu.dma_semaphore, #tpu.memory_space<semaphore_mem>>
      %dma_start3A_208 = arith.constant 0 : i32
      %dma_start3A_209 = tpu.memref_slice %arg16[%add3A_23, %dma_start3A_208] : memref<10240x128xf32, #tpu.memory_space<vmem_shared>> -> memref<128x128xf32, #tpu.memory_space<vmem_shared>>
      %dma_start3A_210 = arith.constant 0 : i32
      %dma_start3A_211 = tpu.memref_slice %arg16[%add3A_23, %dma_start3A_210] : memref<10240x128xf32, #tpu.memory_space<vmem_shared>> -> memref<128x128xf32, #tpu.memory_space<vmem_shared>>
      tpu.enqueue_dma source(%arg12 : memref<128x128xf32, #tpu.memory_space<vmem>>) target(%dma_start3A_211 : memref<128x128xf32, #tpu.memory_space<vmem_shared>>) target_semaphore(%run_scoped3A_207 : memref<!tpu.dma_semaphore, #tpu.memory_space<semaphore_mem>>)
      %dma_wait3A_212 = arith.constant 0 : i32
      %dma_wait3A_213 = tpu.memref_slice %arg16[%add3A_23, %dma_wait3A_212] : memref<10240x128xf32, #tpu.memory_space<vmem_shared>> -> memref<128x128xf32, #tpu.memory_space<vmem_shared>>
      %dma_wait3A_214 = arith.constant 0 : i32
      %dma_wait3A_215 = tpu.memref_slice %arg16[%add3A_23, %dma_wait3A_214] : memref<10240x128xf32, #tpu.memory_space<vmem_shared>> -> memref<128x128xf32, #tpu.memory_space<vmem_shared>>
      tpu.wait_dma2 semaphore(%run_scoped3A_207 : memref<!tpu.dma_semaphore, #tpu.memory_space<semaphore_mem>>) src(%arg12 : memref<128x128xf32, #tpu.memory_space<vmem>>) dst(%dma_wait3A_215 : memref<128x128xf32, #tpu.memory_space<vmem_shared>>)
      tpu.yield
    }) : () -> ()
    %add3A_24 = arith.constant 0 : i32
    %add3A_25 = arith.addi %mul3A_0, %add3A_24 : i32
    %run_scoped3A = arith.constant 0 : i32
    "tpu.region"() ({
      %run_scoped3A_207 = tpu.sem_alloc : memref<!tpu.dma_semaphore, #tpu.memory_space<semaphore_mem>>
      %dma_start3A_208 = arith.constant 0 : i32
      %dma_start3A_209 = tpu.memref_slice %arg12[%run_scoped3A, %dma_start3A_208] : memref<128x128xf32, #tpu.memory_space<vmem>> -> memref<1x128xf32, #tpu.memory_space<vmem>>
      %dma_start3A_210 = tpu.memref_squeeze %dma_start3A_209 : memref<1x128xf32, #tpu.memory_space<vmem>> -> memref<128xf32, #tpu.memory_space<vmem>>
      %dma_start3A_211 = tpu.memref_slice %arg17[%add3A_25] : memref<10240xf32, #tpu.memory_space<vmem_shared>> -> memref<128xf32, #tpu.memory_space<vmem_shared>>
      %dma_start3A_212 = tpu.memref_slice %arg17[%add3A_25] : memref<10240xf32, #tpu.memory_space<vmem_shared>> -> memref<128xf32, #tpu.memory_space<vmem_shared>>
      %dma_start3A_213 = arith.constant 0 : i32
      %dma_start3A_214 = tpu.memref_slice %arg12[%run_scoped3A, %dma_start3A_213] : memref<128x128xf32, #tpu.memory_space<vmem>> -> memref<1x128xf32, #tpu.memory_space<vmem>>
      %dma_start3A_215 = tpu.memref_squeeze %dma_start3A_214 : memref<1x128xf32, #tpu.memory_space<vmem>> -> memref<128xf32, #tpu.memory_space<vmem>>
      tpu.enqueue_dma source(%dma_start3A_215 : memref<128xf32, #tpu.memory_space<vmem>>) target(%dma_start3A_212 : memref<128xf32, #tpu.memory_space<vmem_shared>>) target_semaphore(%run_scoped3A_207 : memref<!tpu.dma_semaphore, #tpu.memory_space<semaphore_mem>>)
      %dma_wait3A_216 = arith.constant 0 : i32
      %dma_wait3A_217 = tpu.memref_slice %arg12[%run_scoped3A, %dma_wait3A_216] : memref<128x128xf32, #tpu.memory_space<vmem>> -> memref<1x128xf32, #tpu.memory_space<vmem>>
      %dma_wait3A_218 = tpu.memref_squeeze %dma_wait3A_217 : memref<1x128xf32, #tpu.memory_space<vmem>> -> memref<128xf32, #tpu.memory_space<vmem>>
      %dma_wait3A_219 = tpu.memref_slice %arg17[%add3A_25] : memref<10240xf32, #tpu.memory_space<vmem_shared>> -> memref<128xf32, #tpu.memory_space<vmem_shared>>
      %dma_wait3A_220 = tpu.memref_slice %arg17[%add3A_25] : memref<10240xf32, #tpu.memory_space<vmem_shared>> -> memref<128xf32, #tpu.memory_space<vmem_shared>>
      %dma_wait3A_221 = arith.constant 0 : i32
      %dma_wait3A_222 = tpu.memref_slice %arg12[%run_scoped3A, %dma_wait3A_221] : memref<128x128xf32, #tpu.memory_space<vmem>> -> memref<1x128xf32, #tpu.memory_space<vmem>>
      %dma_wait3A_223 = tpu.memref_squeeze %dma_wait3A_222 : memref<1x128xf32, #tpu.memory_space<vmem>> -> memref<128xf32, #tpu.memory_space<vmem>>
      tpu.wait_dma2 semaphore(%run_scoped3A_207 : memref<!tpu.dma_semaphore, #tpu.memory_space<semaphore_mem>>) src(%dma_wait3A_223 : memref<128xf32, #tpu.memory_space<vmem>>) dst(%dma_wait3A_220 : memref<128xf32, #tpu.memory_space<vmem_shared>>)
      tpu.yield
    }) : () -> ()
    %add3A_26 = arith.constant 128 : i32
    %add3A_27 = arith.addi %mul3A_0, %add3A_26 : i32
    %run_scoped3A_28 = arith.constant 0 : i32
    "tpu.region"() ({
      %run_scoped3A_207 = tpu.sem_alloc : memref<!tpu.dma_semaphore, #tpu.memory_space<semaphore_mem>>
      %dma_start3A_208 = arith.constant 0 : i32
      %dma_start3A_209 = tpu.memref_slice %arg12[%run_scoped3A_28, %dma_start3A_208] : memref<128x128xf32, #tpu.memory_space<vmem>> -> memref<1x128xf32, #tpu.memory_space<vmem>>
      %dma_start3A_210 = tpu.memref_squeeze %dma_start3A_209 : memref<1x128xf32, #tpu.memory_space<vmem>> -> memref<128xf32, #tpu.memory_space<vmem>>
      %dma_start3A_211 = tpu.memref_slice %arg17[%add3A_27] : memref<10240xf32, #tpu.memory_space<vmem_shared>> -> memref<128xf32, #tpu.memory_space<vmem_shared>>
      %dma_start3A_212 = tpu.memref_slice %arg17[%add3A_27] : memref<10240xf32, #tpu.memory_space<vmem_shared>> -> memref<128xf32, #tpu.memory_space<vmem_shared>>
      %dma_start3A_213 = arith.constant 0 : i32
      %dma_start3A_214 = tpu.memref_slice %arg12[%run_scoped3A_28, %dma_start3A_213] : memref<128x128xf32, #tpu.memory_space<vmem>> -> memref<1x128xf32, #tpu.memory_space<vmem>>
      %dma_start3A_215 = tpu.memref_squeeze %dma_start3A_214 : memref<1x128xf32, #tpu.memory_space<vmem>> -> memref<128xf32, #tpu.memory_space<vmem>>
      tpu.enqueue_dma source(%dma_start3A_215 : memref<128xf32, #tpu.memory_space<vmem>>) target(%dma_start3A_212 : memref<128xf32, #tpu.memory_space<vmem_shared>>) target_semaphore(%run_scoped3A_207 : memref<!tpu.dma_semaphore, #tpu.memory_space<semaphore_mem>>)
      %dma_wait3A_216 = arith.constant 0 : i32
      %dma_wait3A_217 = tpu.memref_slice %arg12[%run_scoped3A_28, %dma_wait3A_216] : memref<128x128xf32, #tpu.memory_space<vmem>> -> memref<1x128xf32, #tpu.memory_space<vmem>>
      %dma_wait3A_218 = tpu.memref_squeeze %dma_wait3A_217 : memref<1x128xf32, #tpu.memory_space<vmem>> -> memref<128xf32, #tpu.memory_space<vmem>>
      %dma_wait3A_219 = tpu.memref_slice %arg17[%add3A_27] : memref<10240xf32, #tpu.memory_space<vmem_shared>> -> memref<128xf32, #tpu.memory_space<vmem_shared>>
      %dma_wait3A_220 = tpu.memref_slice %arg17[%add3A_27] : memref<10240xf32, #tpu.memory_space<vmem_shared>> -> memref<128xf32, #tpu.memory_space<vmem_shared>>
      %dma_wait3A_221 = arith.constant 0 : i32
      %dma_wait3A_222 = tpu.memref_slice %arg12[%run_scoped3A_28, %dma_wait3A_221] : memref<128x128xf32, #tpu.memory_space<vmem>> -> memref<1x128xf32, #tpu.memory_space<vmem>>
      %dma_wait3A_223 = tpu.memref_squeeze %dma_wait3A_222 : memref<1x128xf32, #tpu.memory_space<vmem>> -> memref<128xf32, #tpu.memory_space<vmem>>
      tpu.wait_dma2 semaphore(%run_scoped3A_207 : memref<!tpu.dma_semaphore, #tpu.memory_space<semaphore_mem>>) src(%dma_wait3A_223 : memref<128xf32, #tpu.memory_space<vmem>>) dst(%dma_wait3A_220 : memref<128xf32, #tpu.memory_space<vmem_shared>>)
      tpu.yield
    }) : () -> ()
    %add3A_29 = arith.constant 256 : i32
    %add3A_30 = arith.addi %mul3A_0, %add3A_29 : i32
    %run_scoped3A_31 = arith.constant 0 : i32
    "tpu.region"() ({
      %run_scoped3A_207 = tpu.sem_alloc : memref<!tpu.dma_semaphore, #tpu.memory_space<semaphore_mem>>
      %dma_start3A_208 = arith.constant 0 : i32
      %dma_start3A_209 = tpu.memref_slice %arg12[%run_scoped3A_31, %dma_start3A_208] : memref<128x128xf32, #tpu.memory_space<vmem>> -> memref<1x128xf32, #tpu.memory_space<vmem>>
      %dma_start3A_210 = tpu.memref_squeeze %dma_start3A_209 : memref<1x128xf32, #tpu.memory_space<vmem>> -> memref<128xf32, #tpu.memory_space<vmem>>
      %dma_start3A_211 = tpu.memref_slice %arg17[%add3A_30] : memref<10240xf32, #tpu.memory_space<vmem_shared>> -> memref<128xf32, #tpu.memory_space<vmem_shared>>
      %dma_start3A_212 = tpu.memref_slice %arg17[%add3A_30] : memref<10240xf32, #tpu.memory_space<vmem_shared>> -> memref<128xf32, #tpu.memory_space<vmem_shared>>
      %dma_start3A_213 = arith.constant 0 : i32
      %dma_start3A_214 = tpu.memref_slice %arg12[%run_scoped3A_31, %dma_start3A_213] : memref<128x128xf32, #tpu.memory_space<vmem>> -> memref<1x128xf32, #tpu.memory_space<vmem>>
      %dma_start3A_215 = tpu.memref_squeeze %dma_start3A_214 : memref<1x128xf32, #tpu.memory_space<vmem>> -> memref<128xf32, #tpu.memory_space<vmem>>
      tpu.enqueue_dma source(%dma_start3A_215 : memref<128xf32, #tpu.memory_space<vmem>>) target(%dma_start3A_212 : memref<128xf32, #tpu.memory_space<vmem_shared>>) target_semaphore(%run_scoped3A_207 : memref<!tpu.dma_semaphore, #tpu.memory_space<semaphore_mem>>)
      %dma_wait3A_216 = arith.constant 0 : i32
      %dma_wait3A_217 = tpu.memref_slice %arg12[%run_scoped3A_31, %dma_wait3A_216] : memref<128x128xf32, #tpu.memory_space<vmem>> -> memref<1x128xf32, #tpu.memory_space<vmem>>
      %dma_wait3A_218 = tpu.memref_squeeze %dma_wait3A_217 : memref<1x128xf32, #tpu.memory_space<vmem>> -> memref<128xf32, #tpu.memory_space<vmem>>
      %dma_wait3A_219 = tpu.memref_slice %arg17[%add3A_30] : memref<10240xf32, #tpu.memory_space<vmem_shared>> -> memref<128xf32, #tpu.memory_space<vmem_shared>>
      %dma_wait3A_220 = tpu.memref_slice %arg17[%add3A_30] : memref<10240xf32, #tpu.memory_space<vmem_shared>> -> memref<128xf32, #tpu.memory_space<vmem_shared>>
      %dma_wait3A_221 = arith.constant 0 : i32
      %dma_wait3A_222 = tpu.memref_slice %arg12[%run_scoped3A_31, %dma_wait3A_221] : memref<128x128xf32, #tpu.memory_space<vmem>> -> memref<1x128xf32, #tpu.memory_space<vmem>>
      %dma_wait3A_223 = tpu.memref_squeeze %dma_wait3A_222 : memref<1x128xf32, #tpu.memory_space<vmem>> -> memref<128xf32, #tpu.memory_space<vmem>>
      tpu.wait_dma2 semaphore(%run_scoped3A_207 : memref<!tpu.dma_semaphore, #tpu.memory_space<semaphore_mem>>) src(%dma_wait3A_223 : memref<128xf32, #tpu.memory_space<vmem>>) dst(%dma_wait3A_220 : memref<128xf32, #tpu.memory_space<vmem_shared>>)
      tpu.yield
    }) : () -> ()
    %add3A_32 = arith.constant 384 : i32
    %add3A_33 = arith.addi %mul3A_0, %add3A_32 : i32
    %run_scoped3A_34 = arith.constant 0 : i32
    "tpu.region"() ({
      %run_scoped3A_207 = tpu.sem_alloc : memref<!tpu.dma_semaphore, #tpu.memory_space<semaphore_mem>>
      %dma_start3A_208 = arith.constant 0 : i32
      %dma_start3A_209 = tpu.memref_slice %arg12[%run_scoped3A_34, %dma_start3A_208] : memref<128x128xf32, #tpu.memory_space<vmem>> -> memref<1x128xf32, #tpu.memory_space<vmem>>
      %dma_start3A_210 = tpu.memref_squeeze %dma_start3A_209 : memref<1x128xf32, #tpu.memory_space<vmem>> -> memref<128xf32, #tpu.memory_space<vmem>>
      %dma_start3A_211 = tpu.memref_slice %arg17[%add3A_33] : memref<10240xf32, #tpu.memory_space<vmem_shared>> -> memref<128xf32, #tpu.memory_space<vmem_shared>>
      %dma_start3A_212 = tpu.memref_slice %arg17[%add3A_33] : memref<10240xf32, #tpu.memory_space<vmem_shared>> -> memref<128xf32, #tpu.memory_space<vmem_shared>>
      %dma_start3A_213 = arith.constant 0 : i32
      %dma_start3A_214 = tpu.memref_slice %arg12[%run_scoped3A_34, %dma_start3A_213] : memref<128x128xf32, #tpu.memory_space<vmem>> -> memref<1x128xf32, #tpu.memory_space<vmem>>
      %dma_start3A_215 = tpu.memref_squeeze %dma_start3A_214 : memref<1x128xf32, #tpu.memory_space<vmem>> -> memref<128xf32, #tpu.memory_space<vmem>>
      tpu.enqueue_dma source(%dma_start3A_215 : memref<128xf32, #tpu.memory_space<vmem>>) target(%dma_start3A_212 : memref<128xf32, #tpu.memory_space<vmem_shared>>) target_semaphore(%run_scoped3A_207 : memref<!tpu.dma_semaphore, #tpu.memory_space<semaphore_mem>>)
      %dma_wait3A_216 = arith.constant 0 : i32
      %dma_wait3A_217 = tpu.memref_slice %arg12[%run_scoped3A_34, %dma_wait3A_216] : memref<128x128xf32, #tpu.memory_space<vmem>> -> memref<1x128xf32, #tpu.memory_space<vmem>>
      %dma_wait3A_218 = tpu.memref_squeeze %dma_wait3A_217 : memref<1x128xf32, #tpu.memory_space<vmem>> -> memref<128xf32, #tpu.memory_space<vmem>>
      %dma_wait3A_219 = tpu.memref_slice %arg17[%add3A_33] : memref<10240xf32, #tpu.memory_space<vmem_shared>> -> memref<128xf32, #tpu.memory_space<vmem_shared>>
      %dma_wait3A_220 = tpu.memref_slice %arg17[%add3A_33] : memref<10240xf32, #tpu.memory_space<vmem_shared>> -> memref<128xf32, #tpu.memory_space<vmem_shared>>
      %dma_wait3A_221 = arith.constant 0 : i32
      %dma_wait3A_222 = tpu.memref_slice %arg12[%run_scoped3A_34, %dma_wait3A_221] : memref<128x128xf32, #tpu.memory_space<vmem>> -> memref<1x128xf32, #tpu.memory_space<vmem>>
      %dma_wait3A_223 = tpu.memref_squeeze %dma_wait3A_222 : memref<1x128xf32, #tpu.memory_space<vmem>> -> memref<128xf32, #tpu.memory_space<vmem>>
      tpu.wait_dma2 semaphore(%run_scoped3A_207 : memref<!tpu.dma_semaphore, #tpu.memory_space<semaphore_mem>>) src(%dma_wait3A_223 : memref<128xf32, #tpu.memory_space<vmem>>) dst(%dma_wait3A_220 : memref<128xf32, #tpu.memory_space<vmem_shared>>)
      tpu.yield
    }) : () -> ()
    %add3A_35 = arith.constant 512 : i32
    %add3A_36 = arith.addi %mul3A_0, %add3A_35 : i32
    %run_scoped3A_37 = arith.constant 0 : i32
    "tpu.region"() ({
      %run_scoped3A_207 = tpu.sem_alloc : memref<!tpu.dma_semaphore, #tpu.memory_space<semaphore_mem>>
      %dma_start3A_208 = arith.constant 0 : i32
      %dma_start3A_209 = tpu.memref_slice %arg12[%run_scoped3A_37, %dma_start3A_208] : memref<128x128xf32, #tpu.memory_space<vmem>> -> memref<1x128xf32, #tpu.memory_space<vmem>>
      %dma_start3A_210 = tpu.memref_squeeze %dma_start3A_209 : memref<1x128xf32, #tpu.memory_space<vmem>> -> memref<128xf32, #tpu.memory_space<vmem>>
      %dma_start3A_211 = tpu.memref_slice %arg17[%add3A_36] : memref<10240xf32, #tpu.memory_space<vmem_shared>> -> memref<128xf32, #tpu.memory_space<vmem_shared>>
      %dma_start3A_212 = tpu.memref_slice %arg17[%add3A_36] : memref<10240xf32, #tpu.memory_space<vmem_shared>> -> memref<128xf32, #tpu.memory_space<vmem_shared>>
      %dma_start3A_213 = arith.constant 0 : i32
      %dma_start3A_214 = tpu.memref_slice %arg12[%run_scoped3A_37, %dma_start3A_213] : memref<128x128xf32, #tpu.memory_space<vmem>> -> memref<1x128xf32, #tpu.memory_space<vmem>>
      %dma_start3A_215 = tpu.memref_squeeze %dma_start3A_214 : memref<1x128xf32, #tpu.memory_space<vmem>> -> memref<128xf32, #tpu.memory_space<vmem>>
      tpu.enqueue_dma source(%dma_start3A_215 : memref<128xf32, #tpu.memory_space<vmem>>) target(%dma_start3A_212 : memref<128xf32, #tpu.memory_space<vmem_shared>>) target_semaphore(%run_scoped3A_207 : memref<!tpu.dma_semaphore, #tpu.memory_space<semaphore_mem>>)
      %dma_wait3A_216 = arith.constant 0 : i32
      %dma_wait3A_217 = tpu.memref_slice %arg12[%run_scoped3A_37, %dma_wait3A_216] : memref<128x128xf32, #tpu.memory_space<vmem>> -> memref<1x128xf32, #tpu.memory_space<vmem>>
      %dma_wait3A_218 = tpu.memref_squeeze %dma_wait3A_217 : memref<1x128xf32, #tpu.memory_space<vmem>> -> memref<128xf32, #tpu.memory_space<vmem>>
      %dma_wait3A_219 = tpu.memref_slice %arg17[%add3A_36] : memref<10240xf32, #tpu.memory_space<vmem_shared>> -> memref<128xf32, #tpu.memory_space<vmem_shared>>
      %dma_wait3A_220 = tpu.memref_slice %arg17[%add3A_36] : memref<10240xf32, #tpu.memory_space<vmem_shared>> -> memref<128xf32, #tpu.memory_space<vmem_shared>>
      %dma_wait3A_221 = arith.constant 0 : i32
      %dma_wait3A_222 = tpu.memref_slice %arg12[%run_scoped3A_37, %dma_wait3A_221] : memref<128x128xf32, #tpu.memory_space<vmem>> -> memref<1x128xf32, #tpu.memory_space<vmem>>
      %dma_wait3A_223 = tpu.memref_squeeze %dma_wait3A_222 : memref<1x128xf32, #tpu.memory_space<vmem>> -> memref<128xf32, #tpu.memory_space<vmem>>
      tpu.wait_dma2 semaphore(%run_scoped3A_207 : memref<!tpu.dma_semaphore, #tpu.memory_space<semaphore_mem>>) src(%dma_wait3A_223 : memref<128xf32, #tpu.memory_space<vmem>>) dst(%dma_wait3A_220 : memref<128xf32, #tpu.memory_space<vmem_shared>>)
      tpu.yield
    }) : () -> ()
    %barrier3A = arith.constant 0 : index
    tpu.barrier barrier_id(%barrier3A)
    "tpu.region"() ({
      %run_scoped3A_207 = tpu.sem_alloc : memref<!tpu.dma_semaphore, #tpu.memory_space<semaphore_mem>>
      %dma_start3A_208 = arith.constant 0 : i32
      %dma_start3A_209 = arith.constant 0 : i32
      %dma_start3A_210 = tpu.memref_slice %arg3[%arg0, %arg1, %dma_start3A_208, %dma_start3A_209] : memref<2x16x79x128xi32, #tpu.memory_space<hbm>> -> memref<1x1x79x128xi32, #tpu.memory_space<hbm>>
      %dma_start3A_211 = tpu.memref_squeeze %dma_start3A_210 : memref<1x1x79x128xi32, #tpu.memory_space<hbm>> -> memref<79x128xi32, #tpu.memory_space<hbm>>
      %dma_start3A_212 = arith.constant 0 : i32
      %dma_start3A_213 = arith.constant 0 : i32
      %dma_start3A_214 = tpu.memref_slice %arg3[%arg0, %arg1, %dma_start3A_212, %dma_start3A_213] : memref<2x16x79x128xi32, #tpu.memory_space<hbm>> -> memref<1x1x79x128xi32, #tpu.memory_space<hbm>>
      %dma_start3A_215 = tpu.memref_squeeze %dma_start3A_214 : memref<1x1x79x128xi32, #tpu.memory_space<hbm>> -> memref<79x128xi32, #tpu.memory_space<hbm>>
      tpu.enqueue_dma source(%dma_start3A_215 : memref<79x128xi32, #tpu.memory_space<hbm>>) target(%arg7 : memref<79x128xi32, #tpu.memory_space<vmem>>) target_semaphore(%run_scoped3A_207 : memref<!tpu.dma_semaphore, #tpu.memory_space<semaphore_mem>>)
      %dma_wait3A_216 = arith.constant 0 : i32
      %dma_wait3A_217 = arith.constant 0 : i32
      %dma_wait3A_218 = tpu.memref_slice %arg3[%arg0, %arg1, %dma_wait3A_216, %dma_wait3A_217] : memref<2x16x79x128xi32, #tpu.memory_space<hbm>> -> memref<1x1x79x128xi32, #tpu.memory_space<hbm>>
      %dma_wait3A_219 = tpu.memref_squeeze %dma_wait3A_218 : memref<1x1x79x128xi32, #tpu.memory_space<hbm>> -> memref<79x128xi32, #tpu.memory_space<hbm>>
      %dma_wait3A_220 = arith.constant 0 : i32
      %dma_wait3A_221 = arith.constant 0 : i32
      %dma_wait3A_222 = tpu.memref_slice %arg3[%arg0, %arg1, %dma_wait3A_220, %dma_wait3A_221] : memref<2x16x79x128xi32, #tpu.memory_space<hbm>> -> memref<1x1x79x128xi32, #tpu.memory_space<hbm>>
      %dma_wait3A_223 = tpu.memref_squeeze %dma_wait3A_222 : memref<1x1x79x128xi32, #tpu.memory_space<hbm>> -> memref<79x128xi32, #tpu.memory_space<hbm>>
      tpu.wait_dma2 semaphore(%run_scoped3A_207 : memref<!tpu.dma_semaphore, #tpu.memory_space<semaphore_mem>>) src(%dma_wait3A_223 : memref<79x128xi32, #tpu.memory_space<hbm>>) dst(%arg7 : memref<79x128xi32, #tpu.memory_space<vmem>>)
      tpu.yield
    }) : () -> ()
    %get3A = arith.constant 0 : i32
    %get3A_38 = arith.index_cast %get3A : i32 to index
    %get3A_39 = arith.constant 0 : index
    %get3A_40 = tpu.vector_load %arg7[%get3A_38, %get3A_39] {strides = array<i32>} : memref<79x128xi32, #tpu.memory_space<vmem>>, vector<1x16xi32>,
    %get3A_41 = vector.shape_cast %get3A_40 : vector<1x16xi32> to vector<16xi32>
    %and3A = arith.constant 65535 : i32
    %and3A_42 = vector.broadcast %and3A : i32 to vector<16xi32>
    %and3A_43 = arith.andi %get3A_41, %and3A_42 : vector<16xi32>
    %swap3A = arith.constant 0 : index
    %swap3A_44 = tpu.vector_load %arg8[%swap3A] {strides = array<i32>} : memref<128xi32, #tpu.memory_space<vmem>>, vector<16xi32>,
    %swap3A_45 = vector.shape_cast %swap3A_44 : vector<16xi32> to vector<16xi32>
    %swap3A_46 = vector.shape_cast %and3A_43 : vector<16xi32> to vector<16xi32>
    tpu.vector_store %arg8[%swap3A], %swap3A_46 {strides = array<i32>} : memref<128xi32, #tpu.memory_space<vmem>>, vector<16xi32>,
    %shift_right_logical3A = arith.constant 16 : i32
    %shift_right_logical3A_47 = vector.broadcast %shift_right_logical3A : i32 to vector<16xi32>
    %shift_right_logical3A_48 = arith.shrui %get3A_41, %shift_right_logical3A_47 : vector<16xi32>
    %swap3A_49 = arith.constant 0 : index
    %swap3A_50 = tpu.vector_load %arg9[%swap3A_49] {strides = array<i32>} : memref<128xi32, #tpu.memory_space<vmem>>, vector<16xi32>,
    %swap3A_51 = vector.shape_cast %swap3A_50 : vector<16xi32> to vector<16xi32>
    %swap3A_52 = vector.shape_cast %shift_right_logical3A_48 : vector<16xi32> to vector<16xi32>
    tpu.vector_store %arg9[%swap3A_49], %swap3A_52 {strides = array<i32>} : memref<128xi32, #tpu.memory_space<vmem>>, vector<16xi32>,
    %get3A_53 = arith.constant 0 : i32
    %get3A_54 = arith.index_cast %get3A_53 : i32 to index
    %get3A_55 = arith.constant 16 : index
    %get3A_56 = tpu.vector_load %arg7[%get3A_54, %get3A_55] {strides = array<i32>} : memref<79x128xi32, #tpu.memory_space<vmem>>, vector<1x16xi32>,
    %get3A_57 = vector.shape_cast %get3A_56 : vector<1x16xi32> to vector<16xi32>
    %and3A_58 = arith.constant 65535 : i32
    %and3A_59 = vector.broadcast %and3A_58 : i32 to vector<16xi32>
    %and3A_60 = arith.andi %get3A_57, %and3A_59 : vector<16xi32>
    %swap3A_61 = arith.constant 16 : index
    %swap3A_62 = tpu.vector_load %arg8[%swap3A_61] {strides = array<i32>} : memref<128xi32, #tpu.memory_space<vmem>>, vector<16xi32>,
    %swap3A_63 = vector.shape_cast %swap3A_62 : vector<16xi32> to vector<16xi32>
    %swap3A_64 = vector.shape_cast %and3A_60 : vector<16xi32> to vector<16xi32>
    tpu.vector_store %arg8[%swap3A_61], %swap3A_64 {strides = array<i32>} : memref<128xi32, #tpu.memory_space<vmem>>, vector<16xi32>,
    %shift_right_logical3A_65 = arith.constant 16 : i32
    %shift_right_logical3A_66 = vector.broadcast %shift_right_logical3A_65 : i32 to vector<16xi32>
    %shift_right_logical3A_67 = arith.shrui %get3A_57, %shift_right_logical3A_66 : vector<16xi32>
    %swap3A_68 = arith.constant 16 : index
    %swap3A_69 = tpu.vector_load %arg9[%swap3A_68] {strides = array<i32>} : memref<128xi32, #tpu.memory_space<vmem>>, vector<16xi32>,
    %swap3A_70 = vector.shape_cast %swap3A_69 : vector<16xi32> to vector<16xi32>
    %swap3A_71 = vector.shape_cast %shift_right_logical3A_67 : vector<16xi32> to vector<16xi32>
    tpu.vector_store %arg9[%swap3A_68], %swap3A_71 {strides = array<i32>} : memref<128xi32, #tpu.memory_space<vmem>>, vector<16xi32>,
    %get3A_72 = arith.constant 0 : i32
    %get3A_73 = arith.index_cast %get3A_72 : i32 to index
    %get3A_74 = arith.constant 32 : index
    %get3A_75 = tpu.vector_load %arg7[%get3A_73, %get3A_74] {strides = array<i32>} : memref<79x128xi32, #tpu.memory_space<vmem>>, vector<1x16xi32>,
    %get3A_76 = vector.shape_cast %get3A_75 : vector<1x16xi32> to vector<16xi32>
    %and3A_77 = arith.constant 65535 : i32
    %and3A_78 = vector.broadcast %and3A_77 : i32 to vector<16xi32>
    %and3A_79 = arith.andi %get3A_76, %and3A_78 : vector<16xi32>
    %swap3A_80 = arith.constant 32 : index
    %swap3A_81 = tpu.vector_load %arg8[%swap3A_80] {strides = array<i32>} : memref<128xi32, #tpu.memory_space<vmem>>, vector<16xi32>,
    %swap3A_82 = vector.shape_cast %swap3A_81 : vector<16xi32> to vector<16xi32>
    %swap3A_83 = vector.shape_cast %and3A_79 : vector<16xi32> to vector<16xi32>
    tpu.vector_store %arg8[%swap3A_80], %swap3A_83 {strides = array<i32>} : memref<128xi32, #tpu.memory_space<vmem>>, vector<16xi32>,
    %shift_right_logical3A_84 = arith.constant 16 : i32
    %shift_right_logical3A_85 = vector.broadcast %shift_right_logical3A_84 : i32 to vector<16xi32>
    %shift_right_logical3A_86 = arith.shrui %get3A_76, %shift_right_logical3A_85 : vector<16xi32>
    %swap3A_87 = arith.constant 32 : index
    %swap3A_88 = tpu.vector_load %arg9[%swap3A_87] {strides = array<i32>} : memref<128xi32, #tpu.memory_space<vmem>>, vector<16xi32>,
    %swap3A_89 = vector.shape_cast %swap3A_88 : vector<16xi32> to vector<16xi32>
    %swap3A_90 = vector.shape_cast %shift_right_logical3A_86 : vector<16xi32> to vector<16xi32>
    tpu.vector_store %arg9[%swap3A_87], %swap3A_90 {strides = array<i32>} : memref<128xi32, #tpu.memory_space<vmem>>, vector<16xi32>,
    %get3A_91 = arith.constant 0 : i32
    %get3A_92 = arith.index_cast %get3A_91 : i32 to index
    %get3A_93 = arith.constant 48 : index
    %get3A_94 = tpu.vector_load %arg7[%get3A_92, %get3A_93] {strides = array<i32>} : memref<79x128xi32, #tpu.memory_space<vmem>>, vector<1x16xi32>,
    %get3A_95 = vector.shape_cast %get3A_94 : vector<1x16xi32> to vector<16xi32>
    %and3A_96 = arith.constant 65535 : i32
    %and3A_97 = vector.broadcast %and3A_96 : i32 to vector<16xi32>
    %and3A_98 = arith.andi %get3A_95, %and3A_97 : vector<16xi32>
    %swap3A_99 = arith.constant 48 : index
    %swap3A_100 = tpu.vector_load %arg8[%swap3A_99] {strides = array<i32>} : memref<128xi32, #tpu.memory_space<vmem>>, vector<16xi32>,
    %swap3A_101 = vector.shape_cast %swap3A_100 : vector<16xi32> to vector<16xi32>
    %swap3A_102 = vector.shape_cast %and3A_98 : vector<16xi32> to vector<16xi32>
    tpu.vector_store %arg8[%swap3A_99], %swap3A_102 {strides = array<i32>} : memref<128xi32, #tpu.memory_space<vmem>>, vector<16xi32>,
    %shift_right_logical3A_103 = arith.constant 16 : i32
    %shift_right_logical3A_104 = vector.broadcast %shift_right_logical3A_103 : i32 to vector<16xi32>
    %shift_right_logical3A_105 = arith.shrui %get3A_95, %shift_right_logical3A_104 : vector<16xi32>
    %swap3A_106 = arith.constant 48 : index
    %swap3A_107 = tpu.vector_load %arg9[%swap3A_106] {strides = array<i32>} : memref<128xi32, #tpu.memory_space<vmem>>, vector<16xi32>,
    %swap3A_108 = vector.shape_cast %swap3A_107 : vector<16xi32> to vector<16xi32>
    %swap3A_109 = vector.shape_cast %shift_right_logical3A_105 : vector<16xi32> to vector<16xi32>
    tpu.vector_store %arg9[%swap3A_106], %swap3A_109 {strides = array<i32>} : memref<128xi32, #tpu.memory_space<vmem>>, vector<16xi32>,
    %get3A_110 = arith.constant 0 : i32
    %get3A_111 = arith.index_cast %get3A_110 : i32 to index
    %get3A_112 = arith.constant 64 : index
    %get3A_113 = tpu.vector_load %arg7[%get3A_111, %get3A_112] {strides = array<i32>} : memref<79x128xi32, #tpu.memory_space<vmem>>, vector<1x16xi32>,
    %get3A_114 = vector.shape_cast %get3A_113 : vector<1x16xi32> to vector<16xi32>
    %and3A_115 = arith.constant 65535 : i32
    %and3A_116 = vector.broadcast %and3A_115 : i32 to vector<16xi32>
    %and3A_117 = arith.andi %get3A_114, %and3A_116 : vector<16xi32>
    %swap3A_118 = arith.constant 64 : index
    %swap3A_119 = tpu.vector_load %arg8[%swap3A_118] {strides = array<i32>} : memref<128xi32, #tpu.memory_space<vmem>>, vector<16xi32>,
    %swap3A_120 = vector.shape_cast %swap3A_119 : vector<16xi32> to vector<16xi32>
    %swap3A_121 = vector.shape_cast %and3A_117 : vector<16xi32> to vector<16xi32>
    tpu.vector_store %arg8[%swap3A_118], %swap3A_121 {strides = array<i32>} : memref<128xi32, #tpu.memory_space<vmem>>, vector<16xi32>,
    %shift_right_logical3A_122 = arith.constant 16 : i32
    %shift_right_logical3A_123 = vector.broadcast %shift_right_logical3A_122 : i32 to vector<16xi32>
    %shift_right_logical3A_124 = arith.shrui %get3A_114, %shift_right_logical3A_123 : vector<16xi32>
    %swap3A_125 = arith.constant 64 : index
    %swap3A_126 = tpu.vector_load %arg9[%swap3A_125] {strides = array<i32>} : memref<128xi32, #tpu.memory_space<vmem>>, vector<16xi32>,
    %swap3A_127 = vector.shape_cast %swap3A_126 : vector<16xi32> to vector<16xi32>
    %swap3A_128 = vector.shape_cast %shift_right_logical3A_124 : vector<16xi32> to vector<16xi32>
    tpu.vector_store %arg9[%swap3A_125], %swap3A_128 {strides = array<i32>} : memref<128xi32, #tpu.memory_space<vmem>>, vector<16xi32>,
    %get3A_129 = arith.constant 0 : i32
    %get3A_130 = arith.index_cast %get3A_129 : i32 to index
    %get3A_131 = arith.constant 80 : index
    %get3A_132 = tpu.vector_load %arg7[%get3A_130, %get3A_131] {strides = array<i32>} : memref<79x128xi32, #tpu.memory_space<vmem>>, vector<1x16xi32>,
    %get3A_133 = vector.shape_cast %get3A_132 : vector<1x16xi32> to vector<16xi32>
    %and3A_134 = arith.constant 65535 : i32
    %and3A_135 = vector.broadcast %and3A_134 : i32 to vector<16xi32>
    %and3A_136 = arith.andi %get3A_133, %and3A_135 : vector<16xi32>
    %swap3A_137 = arith.constant 80 : index
    %swap3A_138 = tpu.vector_load %arg8[%swap3A_137] {strides = array<i32>} : memref<128xi32, #tpu.memory_space<vmem>>, vector<16xi32>,
    %swap3A_139 = vector.shape_cast %swap3A_138 : vector<16xi32> to vector<16xi32>
    %swap3A_140 = vector.shape_cast %and3A_136 : vector<16xi32> to vector<16xi32>
    tpu.vector_store %arg8[%swap3A_137], %swap3A_140 {strides = array<i32>} : memref<128xi32, #tpu.memory_space<vmem>>, vector<16xi32>,
    %shift_right_logical3A_141 = arith.constant 16 : i32
    %shift_right_logical3A_142 = vector.broadcast %shift_right_logical3A_141 : i32 to vector<16xi32>
    %shift_right_logical3A_143 = arith.shrui %get3A_133, %shift_right_logical3A_142 : vector<16xi32>
    %swap3A_144 = arith.constant 80 : index
    %swap3A_145 = tpu.vector_load %arg9[%swap3A_144] {strides = array<i32>} : memref<128xi32, #tpu.memory_space<vmem>>, vector<16xi32>,
    %swap3A_146 = vector.shape_cast %swap3A_145 : vector<16xi32> to vector<16xi32>
    %swap3A_147 = vector.shape_cast %shift_right_logical3A_143 : vector<16xi32> to vector<16xi32>
    tpu.vector_store %arg9[%swap3A_144], %swap3A_147 {strides = array<i32>} : memref<128xi32, #tpu.memory_space<vmem>>, vector<16xi32>,
    %get3A_148 = arith.constant 0 : i32
    %get3A_149 = arith.index_cast %get3A_148 : i32 to index
    %get3A_150 = arith.constant 96 : index
    %get3A_151 = tpu.vector_load %arg7[%get3A_149, %get3A_150] {strides = array<i32>} : memref<79x128xi32, #tpu.memory_space<vmem>>, vector<1x16xi32>,
    %get3A_152 = vector.shape_cast %get3A_151 : vector<1x16xi32> to vector<16xi32>
    %and3A_153 = arith.constant 65535 : i32
    %and3A_154 = vector.broadcast %and3A_153 : i32 to vector<16xi32>
    %and3A_155 = arith.andi %get3A_152, %and3A_154 : vector<16xi32>
    %swap3A_156 = arith.constant 96 : index
    %swap3A_157 = tpu.vector_load %arg8[%swap3A_156] {strides = array<i32>} : memref<128xi32, #tpu.memory_space<vmem>>, vector<16xi32>,
    %swap3A_158 = vector.shape_cast %swap3A_157 : vector<16xi32> to vector<16xi32>
    %swap3A_159 = vector.shape_cast %and3A_155 : vector<16xi32> to vector<16xi32>
    tpu.vector_store %arg8[%swap3A_156], %swap3A_159 {strides = array<i32>} : memref<128xi32, #tpu.memory_space<vmem>>, vector<16xi32>,
    %shift_right_logical3A_160 = arith.constant 16 : i32
    %shift_right_logical3A_161 = vector.broadcast %shift_right_logical3A_160 : i32 to vector<16xi32>
    %shift_right_logical3A_162 = arith.shrui %get3A_152, %shift_right_logical3A_161 : vector<16xi32>
    %swap3A_163 = arith.constant 96 : index
    %swap3A_164 = tpu.vector_load %arg9[%swap3A_163] {strides = array<i32>} : memref<128xi32, #tpu.memory_space<vmem>>, vector<16xi32>,
    %swap3A_165 = vector.shape_cast %swap3A_164 : vector<16xi32> to vector<16xi32>
    %swap3A_166 = vector.shape_cast %shift_right_logical3A_162 : vector<16xi32> to vector<16xi32>
    tpu.vector_store %arg9[%swap3A_163], %swap3A_166 {strides = array<i32>} : memref<128xi32, #tpu.memory_space<vmem>>, vector<16xi32>,
    %get3A_167 = arith.constant 0 : i32
    %get3A_168 = arith.index_cast %get3A_167 : i32 to index
    %get3A_169 = arith.constant 112 : index
    %get3A_170 = tpu.vector_load %arg7[%get3A_168, %get3A_169] {strides = array<i32>} : memref<79x128xi32, #tpu.memory_space<vmem>>, vector<1x16xi32>,
    %get3A_171 = vector.shape_cast %get3A_170 : vector<1x16xi32> to vector<16xi32>
    %and3A_172 = arith.constant 65535 : i32
    %and3A_173 = vector.broadcast %and3A_172 : i32 to vector<16xi32>
    %and3A_174 = arith.andi %get3A_171, %and3A_173 : vector<16xi32>
    %swap3A_175 = arith.constant 112 : index
    %swap3A_176 = tpu.vector_load %arg8[%swap3A_175] {strides = array<i32>} : memref<128xi32, #tpu.memory_space<vmem>>, vector<16xi32>,
    %swap3A_177 = vector.shape_cast %swap3A_176 : vector<16xi32> to vector<16xi32>
    %swap3A_178 = vector.shape_cast %and3A_174 : vector<16xi32> to vector<16xi32>
    tpu.vector_store %arg8[%swap3A_175], %swap3A_178 {strides = array<i32>} : memref<128xi32, #tpu.memory_space<vmem>>, vector<16xi32>,
    %shift_right_logical3A_179 = arith.constant 16 : i32
    %shift_right_logical3A_180 = vector.broadcast %shift_right_logical3A_179 : i32 to vector<16xi32>
    %shift_right_logical3A_181 = arith.shrui %get3A_171, %shift_right_logical3A_180 : vector<16xi32>
    %swap3A_182 = arith.constant 112 : index
    %swap3A_183 = tpu.vector_load %arg9[%swap3A_182] {strides = array<i32>} : memref<128xi32, #tpu.memory_space<vmem>>, vector<16xi32>,
    %swap3A_184 = vector.shape_cast %swap3A_183 : vector<16xi32> to vector<16xi32>
    %swap3A_185 = vector.shape_cast %shift_right_logical3A_181 : vector<16xi32> to vector<16xi32>
    tpu.vector_store %arg9[%swap3A_182], %swap3A_185 {strides = array<i32>} : memref<128xi32, #tpu.memory_space<vmem>>, vector<16xi32>,
    %dma_start3A = arith.constant 0 : i32
    %dma_start3A_186 = arith.constant 0 : i32
    %dma_start3A_187 = tpu.memref_slice %arg2[%dma_start3A, %dma_start3A_186] : memref<10000x128xf32, #tpu.memory_space<hbm>> -> memref<10000x128xf32, #tpu.memory_space<hbm>>
    tpu.enqueue_indirect_dma source(%dma_start3A_187 : memref<10000x128xf32, #tpu.memory_space<hbm>>) target(%arg12 : memref<128x128xf32, #tpu.memory_space<vmem>>) offsets(%arg8 : memref<128xi32, #tpu.memory_space<vmem>>) semaphore(%arg18 : memref<!tpu.dma_semaphore, #tpu.memory_space<semaphore_mem>>)
    %scan3A_188 = arith.constant 0 : i32
    %scan3A_189 = arith.constant 0 : i32
    %scan3A_190 = arith.constant 39 : i32
    %scan3A_191 = arith.addi %scan3A_189, %scan3A_190 : i32
    %scan3A_192 = arith.constant 1 : i32
    scf.for %scan3A_207 = %scan3A_189 to %scan3A_191 step %scan3A_192  : i32 {
      %mul3A_208 = arith.constant 2 : i32
      %mul3A_209 = arith.muli %mul3A_208, %scan3A_207 : i32
      %add3A_210 = arith.constant 1 : i32
      %add3A_211 = arith.addi %mul3A_209, %add3A_210 : i32
      %get3A_212 = arith.index_cast %add3A_211 : i32 to index
      %get3A_213 = arith.constant 0 : index
      %get3A_214 = tpu.vector_load %arg7[%get3A_212, %get3A_213] {strides = array<i32>} : memref<79x128xi32, #tpu.memory_space<vmem>>, vector<1x16xi32>,
      %get3A_215 = vector.shape_cast %get3A_214 : vector<1x16xi32> to vector<16xi32>
      %and3A_216 = arith.constant 65535 : i32
      %and3A_217 = vector.broadcast %and3A_216 : i32 to vector<16xi32>
      %and3A_218 = arith.andi %get3A_215, %and3A_217 : vector<16xi32>
      %swap3A_219 = arith.constant 0 : index
      %swap3A_220 = tpu.vector_load %arg10[%swap3A_219] {strides = array<i32>} : memref<128xi32, #tpu.memory_space<vmem>>, vector<16xi32>,
      %swap3A_221 = vector.shape_cast %swap3A_220 : vector<16xi32> to vector<16xi32>
      %swap3A_222 = vector.shape_cast %and3A_218 : vector<16xi32> to vector<16xi32>
      tpu.vector_store %arg10[%swap3A_219], %swap3A_222 {strides = array<i32>} : memref<128xi32, #tpu.memory_space<vmem>>, vector<16xi32>,
      %shift_right_logical3A_223 = arith.constant 16 : i32
      %shift_right_logical3A_224 = vector.broadcast %shift_right_logical3A_223 : i32 to vector<16xi32>
      %shift_right_logical3A_225 = arith.shrui %get3A_215, %shift_right_logical3A_224 : vector<16xi32>
      %swap3A_226 = arith.constant 0 : index
      %swap3A_227 = tpu.vector_load %arg11[%swap3A_226] {strides = array<i32>} : memref<128xi32, #tpu.memory_space<vmem>>, vector<16xi32>,
      %swap3A_228 = vector.shape_cast %swap3A_227 : vector<16xi32> to vector<16xi32>
      %swap3A_229 = vector.shape_cast %shift_right_logical3A_225 : vector<16xi32> to vector<16xi32>
      tpu.vector_store %arg11[%swap3A_226], %swap3A_229 {strides = array<i32>} : memref<128xi32, #tpu.memory_space<vmem>>, vector<16xi32>,
      %get3A_230 = arith.index_cast %add3A_211 : i32 to index
      %get3A_231 = arith.constant 16 : index
      %get3A_232 = tpu.vector_load %arg7[%get3A_230, %get3A_231] {strides = array<i32>} : memref<79x128xi32, #tpu.memory_space<vmem>>, vector<1x16xi32>,
      %get3A_233 = vector.shape_cast %get3A_232 : vector<1x16xi32> to vector<16xi32>
      %and3A_234 = arith.constant 65535 : i32
      %and3A_235 = vector.broadcast %and3A_234 : i32 to vector<16xi32>
      %and3A_236 = arith.andi %get3A_233, %and3A_235 : vector<16xi32>
      %swap3A_237 = arith.constant 16 : index
      %swap3A_238 = tpu.vector_load %arg10[%swap3A_237] {strides = array<i32>} : memref<128xi32, #tpu.memory_space<vmem>>, vector<16xi32>,
      %swap3A_239 = vector.shape_cast %swap3A_238 : vector<16xi32> to vector<16xi32>
      %swap3A_240 = vector.shape_cast %and3A_236 : vector<16xi32> to vector<16xi32>
      tpu.vector_store %arg10[%swap3A_237], %swap3A_240 {strides = array<i32>} : memref<128xi32, #tpu.memory_space<vmem>>, vector<16xi32>,
      %shift_right_logical3A_241 = arith.constant 16 : i32
      %shift_right_logical3A_242 = vector.broadcast %shift_right_logical3A_241 : i32 to vector<16xi32>
      %shift_right_logical3A_243 = arith.shrui %get3A_233, %shift_right_logical3A_242 : vector<16xi32>
      %swap3A_244 = arith.constant 16 : index
      %swap3A_245 = tpu.vector_load %arg11[%swap3A_244] {strides = array<i32>} : memref<128xi32, #tpu.memory_space<vmem>>, vector<16xi32>,
      %swap3A_246 = vector.shape_cast %swap3A_245 : vector<16xi32> to vector<16xi32>
      %swap3A_247 = vector.shape_cast %shift_right_logical3A_243 : vector<16xi32> to vector<16xi32>
      tpu.vector_store %arg11[%swap3A_244], %swap3A_247 {strides = array<i32>} : memref<128xi32, #tpu.memory_space<vmem>>, vector<16xi32>,
      %get3A_248 = arith.index_cast %add3A_211 : i32 to index
      %get3A_249 = arith.constant 32 : index
      %get3A_250 = tpu.vector_load %arg7[%get3A_248, %get3A_249] {strides = array<i32>} : memref<79x128xi32, #tpu.memory_space<vmem>>, vector<1x16xi32>,
      %get3A_251 = vector.shape_cast %get3A_250 : vector<1x16xi32> to vector<16xi32>
      %and3A_252 = arith.constant 65535 : i32
      %and3A_253 = vector.broadcast %and3A_252 : i32 to vector<16xi32>
      %and3A_254 = arith.andi %get3A_251, %and3A_253 : vector<16xi32>
      %swap3A_255 = arith.constant 32 : index
      %swap3A_256 = tpu.vector_load %arg10[%swap3A_255] {strides = array<i32>} : memref<128xi32, #tpu.memory_space<vmem>>, vector<16xi32>,
      %swap3A_257 = vector.shape_cast %swap3A_256 : vector<16xi32> to vector<16xi32>
      %swap3A_258 = vector.shape_cast %and3A_254 : vector<16xi32> to vector<16xi32>
      tpu.vector_store %arg10[%swap3A_255], %swap3A_258 {strides = array<i32>} : memref<128xi32, #tpu.memory_space<vmem>>, vector<16xi32>,
      %shift_right_logical3A_259 = arith.constant 16 : i32
      %shift_right_logical3A_260 = vector.broadcast %shift_right_logical3A_259 : i32 to vector<16xi32>
      %shift_right_logical3A_261 = arith.shrui %get3A_251, %shift_right_logical3A_260 : vector<16xi32>
      %swap3A_262 = arith.constant 32 : index
      %swap3A_263 = tpu.vector_load %arg11[%swap3A_262] {strides = array<i32>} : memref<128xi32, #tpu.memory_space<vmem>>, vector<16xi32>,
      %swap3A_264 = vector.shape_cast %swap3A_263 : vector<16xi32> to vector<16xi32>
      %swap3A_265 = vector.shape_cast %shift_right_logical3A_261 : vector<16xi32> to vector<16xi32>
      tpu.vector_store %arg11[%swap3A_262], %swap3A_265 {strides = array<i32>} : memref<128xi32, #tpu.memory_space<vmem>>, vector<16xi32>,
      %get3A_266 = arith.index_cast %add3A_211 : i32 to index
      %get3A_267 = arith.constant 48 : index
      %get3A_268 = tpu.vector_load %arg7[%get3A_266, %get3A_267] {strides = array<i32>} : memref<79x128xi32, #tpu.memory_space<vmem>>, vector<1x16xi32>,
      %get3A_269 = vector.shape_cast %get3A_268 : vector<1x16xi32> to vector<16xi32>
      %and3A_270 = arith.constant 65535 : i32
      %and3A_271 = vector.broadcast %and3A_270 : i32 to vector<16xi32>
      %and3A_272 = arith.andi %get3A_269, %and3A_271 : vector<16xi32>
      %swap3A_273 = arith.constant 48 : index
      %swap3A_274 = tpu.vector_load %arg10[%swap3A_273] {strides = array<i32>} : memref<128xi32, #tpu.memory_space<vmem>>, vector<16xi32>,
      %swap3A_275 = vector.shape_cast %swap3A_274 : vector<16xi32> to vector<16xi32>
      %swap3A_276 = vector.shape_cast %and3A_272 : vector<16xi32> to vector<16xi32>
      tpu.vector_store %arg10[%swap3A_273], %swap3A_276 {strides = array<i32>} : memref<128xi32, #tpu.memory_space<vmem>>, vector<16xi32>,
      %shift_right_logical3A_277 = arith.constant 16 : i32
      %shift_right_logical3A_278 = vector.broadcast %shift_right_logical3A_277 : i32 to vector<16xi32>
      %shift_right_logical3A_279 = arith.shrui %get3A_269, %shift_right_logical3A_278 : vector<16xi32>
      %swap3A_280 = arith.constant 48 : index
      %swap3A_281 = tpu.vector_load %arg11[%swap3A_280] {strides = array<i32>} : memref<128xi32, #tpu.memory_space<vmem>>, vector<16xi32>,
      %swap3A_282 = vector.shape_cast %swap3A_281 : vector<16xi32> to vector<16xi32>
      %swap3A_283 = vector.shape_cast %shift_right_logical3A_279 : vector<16xi32> to vector<16xi32>
      tpu.vector_store %arg11[%swap3A_280], %swap3A_283 {strides = array<i32>} : memref<128xi32, #tpu.memory_space<vmem>>, vector<16xi32>,
      %get3A_284 = arith.index_cast %add3A_211 : i32 to index
      %get3A_285 = arith.constant 64 : index
      %get3A_286 = tpu.vector_load %arg7[%get3A_284, %get3A_285] {strides = array<i32>} : memref<79x128xi32, #tpu.memory_space<vmem>>, vector<1x16xi32>,
      %get3A_287 = vector.shape_cast %get3A_286 : vector<1x16xi32> to vector<16xi32>
      %and3A_288 = arith.constant 65535 : i32
      %and3A_289 = vector.broadcast %and3A_288 : i32 to vector<16xi32>
      %and3A_290 = arith.andi %get3A_287, %and3A_289 : vector<16xi32>
      %swap3A_291 = arith.constant 64 : index
      %swap3A_292 = tpu.vector_load %arg10[%swap3A_291] {strides = array<i32>} : memref<128xi32, #tpu.memory_space<vmem>>, vector<16xi32>,
      %swap3A_293 = vector.shape_cast %swap3A_292 : vector<16xi32> to vector<16xi32>
      %swap3A_294 = vector.shape_cast %and3A_290 : vector<16xi32> to vector<16xi32>
      tpu.vector_store %arg10[%swap3A_291], %swap3A_294 {strides = array<i32>} : memref<128xi32, #tpu.memory_space<vmem>>, vector<16xi32>,
      %shift_right_logical3A_295 = arith.constant 16 : i32
      %shift_right_logical3A_296 = vector.broadcast %shift_right_logical3A_295 : i32 to vector<16xi32>
      %shift_right_logical3A_297 = arith.shrui %get3A_287, %shift_right_logical3A_296 : vector<16xi32>
      %swap3A_298 = arith.constant 64 : index
      %swap3A_299 = tpu.vector_load %arg11[%swap3A_298] {strides = array<i32>} : memref<128xi32, #tpu.memory_space<vmem>>, vector<16xi32>,
      %swap3A_300 = vector.shape_cast %swap3A_299 : vector<16xi32> to vector<16xi32>
      %swap3A_301 = vector.shape_cast %shift_right_logical3A_297 : vector<16xi32> to vector<16xi32>
      tpu.vector_store %arg11[%swap3A_298], %swap3A_301 {strides = array<i32>} : memref<128xi32, #tpu.memory_space<vmem>>, vector<16xi32>,
      %get3A_302 = arith.index_cast %add3A_211 : i32 to index
      %get3A_303 = arith.constant 80 : index
      %get3A_304 = tpu.vector_load %arg7[%get3A_302, %get3A_303] {strides = array<i32>} : memref<79x128xi32, #tpu.memory_space<vmem>>, vector<1x16xi32>,
      %get3A_305 = vector.shape_cast %get3A_304 : vector<1x16xi32> to vector<16xi32>
      %and3A_306 = arith.constant 65535 : i32
      %and3A_307 = vector.broadcast %and3A_306 : i32 to vector<16xi32>
      %and3A_308 = arith.andi %get3A_305, %and3A_307 : vector<16xi32>
      %swap3A_309 = arith.constant 80 : index
      %swap3A_310 = tpu.vector_load %arg10[%swap3A_309] {strides = array<i32>} : memref<128xi32, #tpu.memory_space<vmem>>, vector<16xi32>,
      %swap3A_311 = vector.shape_cast %swap3A_310 : vector<16xi32> to vector<16xi32>
      %swap3A_312 = vector.shape_cast %and3A_308 : vector<16xi32> to vector<16xi32>
      tpu.vector_store %arg10[%swap3A_309], %swap3A_312 {strides = array<i32>} : memref<128xi32, #tpu.memory_space<vmem>>, vector<16xi32>,
      %shift_right_logical3A_313 = arith.constant 16 : i32
      %shift_right_logical3A_314 = vector.broadcast %shift_right_logical3A_313 : i32 to vector<16xi32>
      %shift_right_logical3A_315 = arith.shrui %get3A_305, %shift_right_logical3A_314 : vector<16xi32>
      %swap3A_316 = arith.constant 80 : index
      %swap3A_317 = tpu.vector_load %arg11[%swap3A_316] {strides = array<i32>} : memref<128xi32, #tpu.memory_space<vmem>>, vector<16xi32>,
      %swap3A_318 = vector.shape_cast %swap3A_317 : vector<16xi32> to vector<16xi32>
      %swap3A_319 = vector.shape_cast %shift_right_logical3A_315 : vector<16xi32> to vector<16xi32>
      tpu.vector_store %arg11[%swap3A_316], %swap3A_319 {strides = array<i32>} : memref<128xi32, #tpu.memory_space<vmem>>, vector<16xi32>,
      %get3A_320 = arith.index_cast %add3A_211 : i32 to index
      %get3A_321 = arith.constant 96 : index
      %get3A_322 = tpu.vector_load %arg7[%get3A_320, %get3A_321] {strides = array<i32>} : memref<79x128xi32, #tpu.memory_space<vmem>>, vector<1x16xi32>,
      %get3A_323 = vector.shape_cast %get3A_322 : vector<1x16xi32> to vector<16xi32>
      %and3A_324 = arith.constant 65535 : i32
      %and3A_325 = vector.broadcast %and3A_324 : i32 to vector<16xi32>
      %and3A_326 = arith.andi %get3A_323, %and3A_325 : vector<16xi32>
      %swap3A_327 = arith.constant 96 : index
      %swap3A_328 = tpu.vector_load %arg10[%swap3A_327] {strides = array<i32>} : memref<128xi32, #tpu.memory_space<vmem>>, vector<16xi32>,
      %swap3A_329 = vector.shape_cast %swap3A_328 : vector<16xi32> to vector<16xi32>
      %swap3A_330 = vector.shape_cast %and3A_326 : vector<16xi32> to vector<16xi32>
      tpu.vector_store %arg10[%swap3A_327], %swap3A_330 {strides = array<i32>} : memref<128xi32, #tpu.memory_space<vmem>>, vector<16xi32>,
      %shift_right_logical3A_331 = arith.constant 16 : i32
      %shift_right_logical3A_332 = vector.broadcast %shift_right_logical3A_331 : i32 to vector<16xi32>
      %shift_right_logical3A_333 = arith.shrui %get3A_323, %shift_right_logical3A_332 : vector<16xi32>
      %swap3A_334 = arith.constant 96 : index
      %swap3A_335 = tpu.vector_load %arg11[%swap3A_334] {strides = array<i32>} : memref<128xi32, #tpu.memory_space<vmem>>, vector<16xi32>,
      %swap3A_336 = vector.shape_cast %swap3A_335 : vector<16xi32> to vector<16xi32>
      %swap3A_337 = vector.shape_cast %shift_right_logical3A_333 : vector<16xi32> to vector<16xi32>
      tpu.vector_store %arg11[%swap3A_334], %swap3A_337 {strides = array<i32>} : memref<128xi32, #tpu.memory_space<vmem>>, vector<16xi32>,
      %get3A_338 = arith.index_cast %add3A_211 : i32 to index
      %get3A_339 = arith.constant 112 : index
      %get3A_340 = tpu.vector_load %arg7[%get3A_338, %get3A_339] {strides = array<i32>} : memref<79x128xi32, #tpu.memory_space<vmem>>, vector<1x16xi32>,
      %get3A_341 = vector.shape_cast %get3A_340 : vector<1x16xi32> to vector<16xi32>
      %and3A_342 = arith.constant 65535 : i32
      %and3A_343 = vector.broadcast %and3A_342 : i32 to vector<16xi32>
      %and3A_344 = arith.andi %get3A_341, %and3A_343 : vector<16xi32>
      %swap3A_345 = arith.constant 112 : index
      %swap3A_346 = tpu.vector_load %arg10[%swap3A_345] {strides = array<i32>} : memref<128xi32, #tpu.memory_space<vmem>>, vector<16xi32>,
      %swap3A_347 = vector.shape_cast %swap3A_346 : vector<16xi32> to vector<16xi32>
      %swap3A_348 = vector.shape_cast %and3A_344 : vector<16xi32> to vector<16xi32>
      tpu.vector_store %arg10[%swap3A_345], %swap3A_348 {strides = array<i32>} : memref<128xi32, #tpu.memory_space<vmem>>, vector<16xi32>,
      %shift_right_logical3A_349 = arith.constant 16 : i32
      %shift_right_logical3A_350 = vector.broadcast %shift_right_logical3A_349 : i32 to vector<16xi32>
      %shift_right_logical3A_351 = arith.shrui %get3A_341, %shift_right_logical3A_350 : vector<16xi32>
      %swap3A_352 = arith.constant 112 : index
      %swap3A_353 = tpu.vector_load %arg11[%swap3A_352] {strides = array<i32>} : memref<128xi32, #tpu.memory_space<vmem>>, vector<16xi32>,
      %swap3A_354 = vector.shape_cast %swap3A_353 : vector<16xi32> to vector<16xi32>
      %swap3A_355 = vector.shape_cast %shift_right_logical3A_351 : vector<16xi32> to vector<16xi32>
      tpu.vector_store %arg11[%swap3A_352], %swap3A_355 {strides = array<i32>} : memref<128xi32, #tpu.memory_space<vmem>>, vector<16xi32>,
      %dma_start3A_356 = arith.constant 0 : i32
      %dma_start3A_357 = arith.constant 0 : i32
      %dma_start3A_358 = tpu.memref_slice %arg2[%dma_start3A_356, %dma_start3A_357] : memref<10000x128xf32, #tpu.memory_space<hbm>> -> memref<10000x128xf32, #tpu.memory_space<hbm>>
      tpu.enqueue_indirect_dma source(%dma_start3A_358 : memref<10000x128xf32, #tpu.memory_space<hbm>>) target(%arg13 : memref<128x128xf32, #tpu.memory_space<vmem>>) offsets(%arg10 : memref<128xi32, #tpu.memory_space<vmem>>) semaphore(%arg19 : memref<!tpu.dma_semaphore, #tpu.memory_space<semaphore_mem>>)
      %dma_wait3A_359 = arith.constant 0 : i32
      %dma_wait3A_360 = arith.constant 0 : i32
      %dma_wait3A_361 = tpu.memref_slice %arg2[%dma_wait3A_359, %dma_wait3A_360] : memref<10000x128xf32, #tpu.memory_space<hbm>> -> memref<128x128xf32, #tpu.memory_space<hbm>>
      %dma_wait3A_362 = arith.constant 0 : i32
      %dma_wait3A_363 = arith.constant 0 : i32
      %dma_wait3A_364 = tpu.memref_slice %arg2[%dma_wait3A_362, %dma_wait3A_363] : memref<10000x128xf32, #tpu.memory_space<hbm>> -> memref<128x128xf32, #tpu.memory_space<hbm>>
      tpu.wait_dma2 semaphore(%arg18 : memref<!tpu.dma_semaphore, #tpu.memory_space<semaphore_mem>>) src(%dma_wait3A_364 : memref<128x128xf32, #tpu.memory_space<hbm>>) dst(%arg12 : memref<128x128xf32, #tpu.memory_space<vmem>>)
      "tpu.region"() ({
        %run_scoped3A_377 = tpu.sem_alloc : memref<!tpu.dma_semaphore, #tpu.memory_space<semaphore_mem>>
        %dma_start3A_378 = arith.constant 0 : i32
        %dma_start3A_379 = arith.constant 0 : i32
        %dma_start3A_380 = tpu.memref_slice %arg16[%dma_start3A_378, %dma_start3A_379] : memref<10240x128xf32, #tpu.memory_space<vmem_shared>> -> memref<10240x128xf32, #tpu.memory_space<vmem_shared>>
        tpu.enqueue_indirect_dma source(%arg12 : memref<128x128xf32, #tpu.memory_space<vmem>>) target(%dma_start3A_380 : memref<10240x128xf32, #tpu.memory_space<vmem_shared>>) offsets(%arg9 : memref<128xi32, #tpu.memory_space<vmem>>) semaphore(%run_scoped3A_377 : memref<!tpu.dma_semaphore, #tpu.memory_space<semaphore_mem>>) {add = true}
        %dma_wait3A_381 = arith.constant 0 : i32
        %dma_wait3A_382 = arith.constant 0 : i32
        %dma_wait3A_383 = tpu.memref_slice %arg16[%dma_wait3A_381, %dma_wait3A_382] : memref<10240x128xf32, #tpu.memory_space<vmem_shared>> -> memref<10240x128xf32, #tpu.memory_space<vmem_shared>>
        tpu.wait_indirect_dma semaphore(%run_scoped3A_377 : memref<!tpu.dma_semaphore, #tpu.memory_space<semaphore_mem>>) src(%arg12 : memref<128x128xf32, #tpu.memory_space<vmem>>) dst(%dma_wait3A_383 : memref<10240x128xf32, #tpu.memory_space<vmem_shared>>)
        tpu.yield
      }) : () -> ()
      "tpu.region"() ({
        %run_scoped3A_377 = tpu.sem_alloc : memref<!tpu.dma_semaphore, #tpu.memory_space<semaphore_mem>>
        %dma_start3A_378 = arith.constant 0 : i32
        %dma_start3A_379 = tpu.memref_slice %arg17[%dma_start3A_378] : memref<10240xf32, #tpu.memory_space<vmem_shared>> -> memref<10240xf32, #tpu.memory_space<vmem_shared>>
        tpu.enqueue_indirect_dma source(%arg14 : memref<128xf32, #tpu.memory_space<vmem>>) target(%dma_start3A_379 : memref<10240xf32, #tpu.memory_space<vmem_shared>>) offsets(%arg9 : memref<128xi32, #tpu.memory_space<vmem>>) semaphore(%run_scoped3A_377 : memref<!tpu.dma_semaphore, #tpu.memory_space<semaphore_mem>>) {add = true}
        %dma_wait3A_380 = arith.constant 0 : i32
        %dma_wait3A_381 = tpu.memref_slice %arg17[%dma_wait3A_380] : memref<10240xf32, #tpu.memory_space<vmem_shared>> -> memref<10240xf32, #tpu.memory_space<vmem_shared>>
        tpu.wait_indirect_dma semaphore(%run_scoped3A_377 : memref<!tpu.dma_semaphore, #tpu.memory_space<semaphore_mem>>) src(%arg14 : memref<128xf32, #tpu.memory_space<vmem>>) dst(%dma_wait3A_381 : memref<10240xf32, #tpu.memory_space<vmem_shared>>)
        tpu.yield
      }) : () -> ()
      %add3A_365 = arith.constant 2 : i32
      %add3A_366 = arith.addi %mul3A_209, %add3A_365 : i32
      %lt3A = arith.constant 79 : i32
      %lt3A_367 = arith.cmpi slt, %add3A_366, %lt3A : i32
      %convert_element_type3A_368 = arith.extui %lt3A_367 : i1 to i32
      %cond3A_369 = arith.constant 0 : i32
      %cond3A_370 = arith.cmpi ne, %convert_element_type3A_368, %cond3A_369 : i32
      scf.if %cond3A_370 {
        %add3A_377 = arith.constant 2 : i32
        %add3A_378 = arith.addi %mul3A_209, %add3A_377 : i32
        %get3A_379 = arith.index_cast %add3A_378 : i32 to index
        %get3A_380 = arith.constant 0 : index
        %get3A_381 = tpu.vector_load %arg7[%get3A_379, %get3A_380] {strides = array<i32>} : memref<79x128xi32, #tpu.memory_space<vmem>>, vector<1x16xi32>,
        %get3A_382 = vector.shape_cast %get3A_381 : vector<1x16xi32> to vector<16xi32>
        %and3A_383 = arith.constant 65535 : i32
        %and3A_384 = vector.broadcast %and3A_383 : i32 to vector<16xi32>
        %and3A_385 = arith.andi %get3A_382, %and3A_384 : vector<16xi32>
        %swap3A_386 = arith.constant 0 : index
        %swap3A_387 = tpu.vector_load %arg8[%swap3A_386] {strides = array<i32>} : memref<128xi32, #tpu.memory_space<vmem>>, vector<16xi32>,
        %swap3A_388 = vector.shape_cast %swap3A_387 : vector<16xi32> to vector<16xi32>
        %swap3A_389 = vector.shape_cast %and3A_385 : vector<16xi32> to vector<16xi32>
        tpu.vector_store %arg8[%swap3A_386], %swap3A_389 {strides = array<i32>} : memref<128xi32, #tpu.memory_space<vmem>>, vector<16xi32>,
        %shift_right_logical3A_390 = arith.constant 16 : i32
        %shift_right_logical3A_391 = vector.broadcast %shift_right_logical3A_390 : i32 to vector<16xi32>
        %shift_right_logical3A_392 = arith.shrui %get3A_382, %shift_right_logical3A_391 : vector<16xi32>
        %swap3A_393 = arith.constant 0 : index
        %swap3A_394 = tpu.vector_load %arg9[%swap3A_393] {strides = array<i32>} : memref<128xi32, #tpu.memory_space<vmem>>, vector<16xi32>,
        %swap3A_395 = vector.shape_cast %swap3A_394 : vector<16xi32> to vector<16xi32>
        %swap3A_396 = vector.shape_cast %shift_right_logical3A_392 : vector<16xi32> to vector<16xi32>
        tpu.vector_store %arg9[%swap3A_393], %swap3A_396 {strides = array<i32>} : memref<128xi32, #tpu.memory_space<vmem>>, vector<16xi32>,
        %get3A_397 = arith.index_cast %add3A_378 : i32 to index
        %get3A_398 = arith.constant 16 : index
        %get3A_399 = tpu.vector_load %arg7[%get3A_397, %get3A_398] {strides = array<i32>} : memref<79x128xi32, #tpu.memory_space<vmem>>, vector<1x16xi32>,
        %get3A_400 = vector.shape_cast %get3A_399 : vector<1x16xi32> to vector<16xi32>
        %and3A_401 = arith.constant 65535 : i32
        %and3A_402 = vector.broadcast %and3A_401 : i32 to vector<16xi32>
        %and3A_403 = arith.andi %get3A_400, %and3A_402 : vector<16xi32>
        %swap3A_404 = arith.constant 16 : index
        %swap3A_405 = tpu.vector_load %arg8[%swap3A_404] {strides = array<i32>} : memref<128xi32, #tpu.memory_space<vmem>>, vector<16xi32>,
        %swap3A_406 = vector.shape_cast %swap3A_405 : vector<16xi32> to vector<16xi32>
        %swap3A_407 = vector.shape_cast %and3A_403 : vector<16xi32> to vector<16xi32>
        tpu.vector_store %arg8[%swap3A_404], %swap3A_407 {strides = array<i32>} : memref<128xi32, #tpu.memory_space<vmem>>, vector<16xi32>,
        %shift_right_logical3A_408 = arith.constant 16 : i32
        %shift_right_logical3A_409 = vector.broadcast %shift_right_logical3A_408 : i32 to vector<16xi32>
        %shift_right_logical3A_410 = arith.shrui %get3A_400, %shift_right_logical3A_409 : vector<16xi32>
        %swap3A_411 = arith.constant 16 : index
        %swap3A_412 = tpu.vector_load %arg9[%swap3A_411] {strides = array<i32>} : memref<128xi32, #tpu.memory_space<vmem>>, vector<16xi32>,
        %swap3A_413 = vector.shape_cast %swap3A_412 : vector<16xi32> to vector<16xi32>
        %swap3A_414 = vector.shape_cast %shift_right_logical3A_410 : vector<16xi32> to vector<16xi32>
        tpu.vector_store %arg9[%swap3A_411], %swap3A_414 {strides = array<i32>} : memref<128xi32, #tpu.memory_space<vmem>>, vector<16xi32>,
        %get3A_415 = arith.index_cast %add3A_378 : i32 to index
        %get3A_416 = arith.constant 32 : index
        %get3A_417 = tpu.vector_load %arg7[%get3A_415, %get3A_416] {strides = array<i32>} : memref<79x128xi32, #tpu.memory_space<vmem>>, vector<1x16xi32>,
        %get3A_418 = vector.shape_cast %get3A_417 : vector<1x16xi32> to vector<16xi32>
        %and3A_419 = arith.constant 65535 : i32
        %and3A_420 = vector.broadcast %and3A_419 : i32 to vector<16xi32>
        %and3A_421 = arith.andi %get3A_418, %and3A_420 : vector<16xi32>
        %swap3A_422 = arith.constant 32 : index
        %swap3A_423 = tpu.vector_load %arg8[%swap3A_422] {strides = array<i32>} : memref<128xi32, #tpu.memory_space<vmem>>, vector<16xi32>,
        %swap3A_424 = vector.shape_cast %swap3A_423 : vector<16xi32> to vector<16xi32>
        %swap3A_425 = vector.shape_cast %and3A_421 : vector<16xi32> to vector<16xi32>
        tpu.vector_store %arg8[%swap3A_422], %swap3A_425 {strides = array<i32>} : memref<128xi32, #tpu.memory_space<vmem>>, vector<16xi32>,
        %shift_right_logical3A_426 = arith.constant 16 : i32
        %shift_right_logical3A_427 = vector.broadcast %shift_right_logical3A_426 : i32 to vector<16xi32>
        %shift_right_logical3A_428 = arith.shrui %get3A_418, %shift_right_logical3A_427 : vector<16xi32>
        %swap3A_429 = arith.constant 32 : index
        %swap3A_430 = tpu.vector_load %arg9[%swap3A_429] {strides = array<i32>} : memref<128xi32, #tpu.memory_space<vmem>>, vector<16xi32>,
        %swap3A_431 = vector.shape_cast %swap3A_430 : vector<16xi32> to vector<16xi32>
        %swap3A_432 = vector.shape_cast %shift_right_logical3A_428 : vector<16xi32> to vector<16xi32>
        tpu.vector_store %arg9[%swap3A_429], %swap3A_432 {strides = array<i32>} : memref<128xi32, #tpu.memory_space<vmem>>, vector<16xi32>,
        %get3A_433 = arith.index_cast %add3A_378 : i32 to index
        %get3A_434 = arith.constant 48 : index
        %get3A_435 = tpu.vector_load %arg7[%get3A_433, %get3A_434] {strides = array<i32>} : memref<79x128xi32, #tpu.memory_space<vmem>>, vector<1x16xi32>,
        %get3A_436 = vector.shape_cast %get3A_435 : vector<1x16xi32> to vector<16xi32>
        %and3A_437 = arith.constant 65535 : i32
        %and3A_438 = vector.broadcast %and3A_437 : i32 to vector<16xi32>
        %and3A_439 = arith.andi %get3A_436, %and3A_438 : vector<16xi32>
        %swap3A_440 = arith.constant 48 : index
        %swap3A_441 = tpu.vector_load %arg8[%swap3A_440] {strides = array<i32>} : memref<128xi32, #tpu.memory_space<vmem>>, vector<16xi32>,
        %swap3A_442 = vector.shape_cast %swap3A_441 : vector<16xi32> to vector<16xi32>
        %swap3A_443 = vector.shape_cast %and3A_439 : vector<16xi32> to vector<16xi32>
        tpu.vector_store %arg8[%swap3A_440], %swap3A_443 {strides = array<i32>} : memref<128xi32, #tpu.memory_space<vmem>>, vector<16xi32>,
        %shift_right_logical3A_444 = arith.constant 16 : i32
        %shift_right_logical3A_445 = vector.broadcast %shift_right_logical3A_444 : i32 to vector<16xi32>
        %shift_right_logical3A_446 = arith.shrui %get3A_436, %shift_right_logical3A_445 : vector<16xi32>
        %swap3A_447 = arith.constant 48 : index
        %swap3A_448 = tpu.vector_load %arg9[%swap3A_447] {strides = array<i32>} : memref<128xi32, #tpu.memory_space<vmem>>, vector<16xi32>,
        %swap3A_449 = vector.shape_cast %swap3A_448 : vector<16xi32> to vector<16xi32>
        %swap3A_450 = vector.shape_cast %shift_right_logical3A_446 : vector<16xi32> to vector<16xi32>
        tpu.vector_store %arg9[%swap3A_447], %swap3A_450 {strides = array<i32>} : memref<128xi32, #tpu.memory_space<vmem>>, vector<16xi32>,
        %get3A_451 = arith.index_cast %add3A_378 : i32 to index
        %get3A_452 = arith.constant 64 : index
        %get3A_453 = tpu.vector_load %arg7[%get3A_451, %get3A_452] {strides = array<i32>} : memref<79x128xi32, #tpu.memory_space<vmem>>, vector<1x16xi32>,
        %get3A_454 = vector.shape_cast %get3A_453 : vector<1x16xi32> to vector<16xi32>
        %and3A_455 = arith.constant 65535 : i32
        %and3A_456 = vector.broadcast %and3A_455 : i32 to vector<16xi32>
        %and3A_457 = arith.andi %get3A_454, %and3A_456 : vector<16xi32>
        %swap3A_458 = arith.constant 64 : index
        %swap3A_459 = tpu.vector_load %arg8[%swap3A_458] {strides = array<i32>} : memref<128xi32, #tpu.memory_space<vmem>>, vector<16xi32>,
        %swap3A_460 = vector.shape_cast %swap3A_459 : vector<16xi32> to vector<16xi32>
        %swap3A_461 = vector.shape_cast %and3A_457 : vector<16xi32> to vector<16xi32>
        tpu.vector_store %arg8[%swap3A_458], %swap3A_461 {strides = array<i32>} : memref<128xi32, #tpu.memory_space<vmem>>, vector<16xi32>,
        %shift_right_logical3A_462 = arith.constant 16 : i32
        %shift_right_logical3A_463 = vector.broadcast %shift_right_logical3A_462 : i32 to vector<16xi32>
        %shift_right_logical3A_464 = arith.shrui %get3A_454, %shift_right_logical3A_463 : vector<16xi32>
        %swap3A_465 = arith.constant 64 : index
        %swap3A_466 = tpu.vector_load %arg9[%swap3A_465] {strides = array<i32>} : memref<128xi32, #tpu.memory_space<vmem>>, vector<16xi32>,
        %swap3A_467 = vector.shape_cast %swap3A_466 : vector<16xi32> to vector<16xi32>
        %swap3A_468 = vector.shape_cast %shift_right_logical3A_464 : vector<16xi32> to vector<16xi32>
        tpu.vector_store %arg9[%swap3A_465], %swap3A_468 {strides = array<i32>} : memref<128xi32, #tpu.memory_space<vmem>>, vector<16xi32>,
        %get3A_469 = arith.index_cast %add3A_378 : i32 to index
        %get3A_470 = arith.constant 80 : index
        %get3A_471 = tpu.vector_load %arg7[%get3A_469, %get3A_470] {strides = array<i32>} : memref<79x128xi32, #tpu.memory_space<vmem>>, vector<1x16xi32>,
        %get3A_472 = vector.shape_cast %get3A_471 : vector<1x16xi32> to vector<16xi32>
        %and3A_473 = arith.constant 65535 : i32
        %and3A_474 = vector.broadcast %and3A_473 : i32 to vector<16xi32>
        %and3A_475 = arith.andi %get3A_472, %and3A_474 : vector<16xi32>
        %swap3A_476 = arith.constant 80 : index
        %swap3A_477 = tpu.vector_load %arg8[%swap3A_476] {strides = array<i32>} : memref<128xi32, #tpu.memory_space<vmem>>, vector<16xi32>,
        %swap3A_478 = vector.shape_cast %swap3A_477 : vector<16xi32> to vector<16xi32>
        %swap3A_479 = vector.shape_cast %and3A_475 : vector<16xi32> to vector<16xi32>
        tpu.vector_store %arg8[%swap3A_476], %swap3A_479 {strides = array<i32>} : memref<128xi32, #tpu.memory_space<vmem>>, vector<16xi32>,
        %shift_right_logical3A_480 = arith.constant 16 : i32
        %shift_right_logical3A_481 = vector.broadcast %shift_right_logical3A_480 : i32 to vector<16xi32>
        %shift_right_logical3A_482 = arith.shrui %get3A_472, %shift_right_logical3A_481 : vector<16xi32>
        %swap3A_483 = arith.constant 80 : index
        %swap3A_484 = tpu.vector_load %arg9[%swap3A_483] {strides = array<i32>} : memref<128xi32, #tpu.memory_space<vmem>>, vector<16xi32>,
        %swap3A_485 = vector.shape_cast %swap3A_484 : vector<16xi32> to vector<16xi32>
        %swap3A_486 = vector.shape_cast %shift_right_logical3A_482 : vector<16xi32> to vector<16xi32>
        tpu.vector_store %arg9[%swap3A_483], %swap3A_486 {strides = array<i32>} : memref<128xi32, #tpu.memory_space<vmem>>, vector<16xi32>,
        %get3A_487 = arith.index_cast %add3A_378 : i32 to index
        %get3A_488 = arith.constant 96 : index
        %get3A_489 = tpu.vector_load %arg7[%get3A_487, %get3A_488] {strides = array<i32>} : memref<79x128xi32, #tpu.memory_space<vmem>>, vector<1x16xi32>,
        %get3A_490 = vector.shape_cast %get3A_489 : vector<1x16xi32> to vector<16xi32>
        %and3A_491 = arith.constant 65535 : i32
        %and3A_492 = vector.broadcast %and3A_491 : i32 to vector<16xi32>
        %and3A_493 = arith.andi %get3A_490, %and3A_492 : vector<16xi32>
        %swap3A_494 = arith.constant 96 : index
        %swap3A_495 = tpu.vector_load %arg8[%swap3A_494] {strides = array<i32>} : memref<128xi32, #tpu.memory_space<vmem>>, vector<16xi32>,
        %swap3A_496 = vector.shape_cast %swap3A_495 : vector<16xi32> to vector<16xi32>
        %swap3A_497 = vector.shape_cast %and3A_493 : vector<16xi32> to vector<16xi32>
        tpu.vector_store %arg8[%swap3A_494], %swap3A_497 {strides = array<i32>} : memref<128xi32, #tpu.memory_space<vmem>>, vector<16xi32>,
        %shift_right_logical3A_498 = arith.constant 16 : i32
        %shift_right_logical3A_499 = vector.broadcast %shift_right_logical3A_498 : i32 to vector<16xi32>
        %shift_right_logical3A_500 = arith.shrui %get3A_490, %shift_right_logical3A_499 : vector<16xi32>
        %swap3A_501 = arith.constant 96 : index
        %swap3A_502 = tpu.vector_load %arg9[%swap3A_501] {strides = array<i32>} : memref<128xi32, #tpu.memory_space<vmem>>, vector<16xi32>,
        %swap3A_503 = vector.shape_cast %swap3A_502 : vector<16xi32> to vector<16xi32>
        %swap3A_504 = vector.shape_cast %shift_right_logical3A_500 : vector<16xi32> to vector<16xi32>
        tpu.vector_store %arg9[%swap3A_501], %swap3A_504 {strides = array<i32>} : memref<128xi32, #tpu.memory_space<vmem>>, vector<16xi32>,
        %get3A_505 = arith.index_cast %add3A_378 : i32 to index
        %get3A_506 = arith.constant 112 : index
        %get3A_507 = tpu.vector_load %arg7[%get3A_505, %get3A_506] {strides = array<i32>} : memref<79x128xi32, #tpu.memory_space<vmem>>, vector<1x16xi32>,
        %get3A_508 = vector.shape_cast %get3A_507 : vector<1x16xi32> to vector<16xi32>
        %and3A_509 = arith.constant 65535 : i32
        %and3A_510 = vector.broadcast %and3A_509 : i32 to vector<16xi32>
        %and3A_511 = arith.andi %get3A_508, %and3A_510 : vector<16xi32>
        %swap3A_512 = arith.constant 112 : index
        %swap3A_513 = tpu.vector_load %arg8[%swap3A_512] {strides = array<i32>} : memref<128xi32, #tpu.memory_space<vmem>>, vector<16xi32>,
        %swap3A_514 = vector.shape_cast %swap3A_513 : vector<16xi32> to vector<16xi32>
        %swap3A_515 = vector.shape_cast %and3A_511 : vector<16xi32> to vector<16xi32>
        tpu.vector_store %arg8[%swap3A_512], %swap3A_515 {strides = array<i32>} : memref<128xi32, #tpu.memory_space<vmem>>, vector<16xi32>,
        %shift_right_logical3A_516 = arith.constant 16 : i32
        %shift_right_logical3A_517 = vector.broadcast %shift_right_logical3A_516 : i32 to vector<16xi32>
        %shift_right_logical3A_518 = arith.shrui %get3A_508, %shift_right_logical3A_517 : vector<16xi32>
        %swap3A_519 = arith.constant 112 : index
        %swap3A_520 = tpu.vector_load %arg9[%swap3A_519] {strides = array<i32>} : memref<128xi32, #tpu.memory_space<vmem>>, vector<16xi32>,
        %swap3A_521 = vector.shape_cast %swap3A_520 : vector<16xi32> to vector<16xi32>
        %swap3A_522 = vector.shape_cast %shift_right_logical3A_518 : vector<16xi32> to vector<16xi32>
        tpu.vector_store %arg9[%swap3A_519], %swap3A_522 {strides = array<i32>} : memref<128xi32, #tpu.memory_space<vmem>>, vector<16xi32>,
        %dma_start3A_523 = arith.constant 0 : i32
        %dma_start3A_524 = arith.constant 0 : i32
        %dma_start3A_525 = tpu.memref_slice %arg2[%dma_start3A_523, %dma_start3A_524] : memref<10000x128xf32, #tpu.memory_space<hbm>> -> memref<10000x128xf32, #tpu.memory_space<hbm>>
        tpu.enqueue_indirect_dma source(%dma_start3A_525 : memref<10000x128xf32, #tpu.memory_space<hbm>>) target(%arg12 : memref<128x128xf32, #tpu.memory_space<vmem>>) offsets(%arg8 : memref<128xi32, #tpu.memory_space<vmem>>) semaphore(%arg18 : memref<!tpu.dma_semaphore, #tpu.memory_space<semaphore_mem>>)
      } else {
      }
      %dma_wait3A_371 = arith.constant 0 : i32
      %dma_wait3A_372 = arith.constant 0 : i32
      %dma_wait3A_373 = tpu.memref_slice %arg2[%dma_wait3A_371, %dma_wait3A_372] : memref<10000x128xf32, #tpu.memory_space<hbm>> -> memref<128x128xf32, #tpu.memory_space<hbm>>
      %dma_wait3A_374 = arith.constant 0 : i32
      %dma_wait3A_375 = arith.constant 0 : i32
      %dma_wait3A_376 = tpu.memref_slice %arg2[%dma_wait3A_374, %dma_wait3A_375] : memref<10000x128xf32, #tpu.memory_space<hbm>> -> memref<128x128xf32, #tpu.memory_space<hbm>>
      tpu.wait_dma2 semaphore(%arg19 : memref<!tpu.dma_semaphore, #tpu.memory_space<semaphore_mem>>) src(%dma_wait3A_376 : memref<128x128xf32, #tpu.memory_space<hbm>>) dst(%arg13 : memref<128x128xf32, #tpu.memory_space<vmem>>)
      "tpu.region"() ({
        %run_scoped3A_377 = tpu.sem_alloc : memref<!tpu.dma_semaphore, #tpu.memory_space<semaphore_mem>>
        %dma_start3A_378 = arith.constant 0 : i32
        %dma_start3A_379 = arith.constant 0 : i32
        %dma_start3A_380 = tpu.memref_slice %arg16[%dma_start3A_378, %dma_start3A_379] : memref<10240x128xf32, #tpu.memory_space<vmem_shared>> -> memref<10240x128xf32, #tpu.memory_space<vmem_shared>>
        tpu.enqueue_indirect_dma source(%arg13 : memref<128x128xf32, #tpu.memory_space<vmem>>) target(%dma_start3A_380 : memref<10240x128xf32, #tpu.memory_space<vmem_shared>>) offsets(%arg11 : memref<128xi32, #tpu.memory_space<vmem>>) semaphore(%run_scoped3A_377 : memref<!tpu.dma_semaphore, #tpu.memory_space<semaphore_mem>>) {add = true}
        %dma_wait3A_381 = arith.constant 0 : i32
        %dma_wait3A_382 = arith.constant 0 : i32
        %dma_wait3A_383 = tpu.memref_slice %arg16[%dma_wait3A_381, %dma_wait3A_382] : memref<10240x128xf32, #tpu.memory_space<vmem_shared>> -> memref<10240x128xf32, #tpu.memory_space<vmem_shared>>
        tpu.wait_indirect_dma semaphore(%run_scoped3A_377 : memref<!tpu.dma_semaphore, #tpu.memory_space<semaphore_mem>>) src(%arg13 : memref<128x128xf32, #tpu.memory_space<vmem>>) dst(%dma_wait3A_383 : memref<10240x128xf32, #tpu.memory_space<vmem_shared>>)
        tpu.yield
      }) : () -> ()
      "tpu.region"() ({
        %run_scoped3A_377 = tpu.sem_alloc : memref<!tpu.dma_semaphore, #tpu.memory_space<semaphore_mem>>
        %dma_start3A_378 = arith.constant 0 : i32
        %dma_start3A_379 = tpu.memref_slice %arg17[%dma_start3A_378] : memref<10240xf32, #tpu.memory_space<vmem_shared>> -> memref<10240xf32, #tpu.memory_space<vmem_shared>>
        tpu.enqueue_indirect_dma source(%arg14 : memref<128xf32, #tpu.memory_space<vmem>>) target(%dma_start3A_379 : memref<10240xf32, #tpu.memory_space<vmem_shared>>) offsets(%arg11 : memref<128xi32, #tpu.memory_space<vmem>>) semaphore(%run_scoped3A_377 : memref<!tpu.dma_semaphore, #tpu.memory_space<semaphore_mem>>) {add = true}
        %dma_wait3A_380 = arith.constant 0 : i32
        %dma_wait3A_381 = tpu.memref_slice %arg17[%dma_wait3A_380] : memref<10240xf32, #tpu.memory_space<vmem_shared>> -> memref<10240xf32, #tpu.memory_space<vmem_shared>>
        tpu.wait_indirect_dma semaphore(%run_scoped3A_377 : memref<!tpu.dma_semaphore, #tpu.memory_space<semaphore_mem>>) src(%arg14 : memref<128xf32, #tpu.memory_space<vmem>>) dst(%dma_wait3A_381 : memref<10240xf32, #tpu.memory_space<vmem_shared>>)
        tpu.yield
      }) : () -> ()
    }
    %scan3A_193 = arith.constant 39 : i32
    %dma_wait3A = arith.constant 0 : i32
    %dma_wait3A_194 = arith.constant 0 : i32
    %dma_wait3A_195 = tpu.memref_slice %arg2[%dma_wait3A, %dma_wait3A_194] : memref<10000x128xf32, #tpu.memory_space<hbm>> -> memref<128x128xf32, #tpu.memory_space<hbm>>
    %dma_wait3A_196 = arith.constant 0 : i32
    %dma_wait3A_197 = arith.constant 0 : i32
    %dma_wait3A_198 = tpu.memref_slice %arg2[%dma_wait3A_196, %dma_wait3A_197] : memref<10000x128xf32, #tpu.memory_space<hbm>> -> memref<128x128xf32, #tpu.memory_space<hbm>>
    tpu.wait_dma2 semaphore(%arg18 : memref<!tpu.dma_semaphore, #tpu.memory_space<semaphore_mem>>) src(%dma_wait3A_198 : memref<128x128xf32, #tpu.memory_space<hbm>>) dst(%arg12 : memref<128x128xf32, #tpu.memory_space<vmem>>)
    "tpu.region"() ({
      %run_scoped3A_207 = tpu.sem_alloc : memref<!tpu.dma_semaphore, #tpu.memory_space<semaphore_mem>>
      %dma_start3A_208 = arith.constant 0 : i32
      %dma_start3A_209 = arith.constant 0 : i32
      %dma_start3A_210 = tpu.memref_slice %arg16[%dma_start3A_208, %dma_start3A_209] : memref<10240x128xf32, #tpu.memory_space<vmem_shared>> -> memref<10240x128xf32, #tpu.memory_space<vmem_shared>>
      tpu.enqueue_indirect_dma source(%arg12 : memref<128x128xf32, #tpu.memory_space<vmem>>) target(%dma_start3A_210 : memref<10240x128xf32, #tpu.memory_space<vmem_shared>>) offsets(%arg9 : memref<128xi32, #tpu.memory_space<vmem>>) semaphore(%run_scoped3A_207 : memref<!tpu.dma_semaphore, #tpu.memory_space<semaphore_mem>>) {add = true}
      %dma_wait3A_211 = arith.constant 0 : i32
      %dma_wait3A_212 = arith.constant 0 : i32
      %dma_wait3A_213 = tpu.memref_slice %arg16[%dma_wait3A_211, %dma_wait3A_212] : memref<10240x128xf32, #tpu.memory_space<vmem_shared>> -> memref<10240x128xf32, #tpu.memory_space<vmem_shared>>
      tpu.wait_indirect_dma semaphore(%run_scoped3A_207 : memref<!tpu.dma_semaphore, #tpu.memory_space<semaphore_mem>>) src(%arg12 : memref<128x128xf32, #tpu.memory_space<vmem>>) dst(%dma_wait3A_213 : memref<10240x128xf32, #tpu.memory_space<vmem_shared>>)
      tpu.yield
    }) : () -> ()
    "tpu.region"() ({
      %run_scoped3A_207 = tpu.sem_alloc : memref<!tpu.dma_semaphore, #tpu.memory_space<semaphore_mem>>
      %dma_start3A_208 = arith.constant 0 : i32
      %dma_start3A_209 = tpu.memref_slice %arg17[%dma_start3A_208] : memref<10240xf32, #tpu.memory_space<vmem_shared>> -> memref<10240xf32, #tpu.memory_space<vmem_shared>>
      tpu.enqueue_indirect_dma source(%arg14 : memref<128xf32, #tpu.memory_space<vmem>>) target(%dma_start3A_209 : memref<10240xf32, #tpu.memory_space<vmem_shared>>) offsets(%arg9 : memref<128xi32, #tpu.memory_space<vmem>>) semaphore(%run_scoped3A_207 : memref<!tpu.dma_semaphore, #tpu.memory_space<semaphore_mem>>) {add = true}
      %dma_wait3A_210 = arith.constant 0 : i32
      %dma_wait3A_211 = tpu.memref_slice %arg17[%dma_wait3A_210] : memref<10240xf32, #tpu.memory_space<vmem_shared>> -> memref<10240xf32, #tpu.memory_space<vmem_shared>>
      tpu.wait_indirect_dma semaphore(%run_scoped3A_207 : memref<!tpu.dma_semaphore, #tpu.memory_space<semaphore_mem>>) src(%arg14 : memref<128xf32, #tpu.memory_space<vmem>>) dst(%dma_wait3A_211 : memref<10240xf32, #tpu.memory_space<vmem_shared>>)
      tpu.yield
    }) : () -> ()
    %barrier3A_199 = arith.constant 0 : index
    tpu.barrier barrier_id(%barrier3A_199)
    "tpu.region"() ({
      %run_scoped3A_207 = tpu.sem_alloc : memref<!tpu.dma_semaphore, #tpu.memory_space<semaphore_mem>>
      %dma_start3A_208 = arith.constant 0 : i32
      %dma_start3A_209 = tpu.memref_slice %arg4[%arg0, %mul3A_0, %dma_start3A_208] : memref<2x10240x128xf32, #tpu.memory_space<hbm>> -> memref<1x640x128xf32, #tpu.memory_space<hbm>>
      %dma_start3A_210 = tpu.memref_squeeze %dma_start3A_209 : memref<1x640x128xf32, #tpu.memory_space<hbm>> -> memref<640x128xf32, #tpu.memory_space<hbm>>
      %dma_start3A_211 = arith.constant 0 : i32
      %dma_start3A_212 = tpu.memref_slice %arg16[%mul3A_0, %dma_start3A_211] : memref<10240x128xf32, #tpu.memory_space<vmem_shared>> -> memref<640x128xf32, #tpu.memory_space<vmem_shared>>
      tpu.enqueue_dma source(%dma_start3A_212 : memref<640x128xf32, #tpu.memory_space<vmem_shared>>) target(%dma_start3A_210 : memref<640x128xf32, #tpu.memory_space<hbm>>) target_semaphore(%run_scoped3A_207 : memref<!tpu.dma_semaphore, #tpu.memory_space<semaphore_mem>>)
      %dma_wait3A_213 = arith.constant 0 : i32
      %dma_wait3A_214 = tpu.memref_slice %arg4[%arg0, %mul3A_0, %dma_wait3A_213] : memref<2x10240x128xf32, #tpu.memory_space<hbm>> -> memref<1x640x128xf32, #tpu.memory_space<hbm>>
      %dma_wait3A_215 = tpu.memref_squeeze %dma_wait3A_214 : memref<1x640x128xf32, #tpu.memory_space<hbm>> -> memref<640x128xf32, #tpu.memory_space<hbm>>
      %dma_wait3A_216 = arith.constant 0 : i32
      %dma_wait3A_217 = tpu.memref_slice %arg16[%mul3A_0, %dma_wait3A_216] : memref<10240x128xf32, #tpu.memory_space<vmem_shared>> -> memref<640x128xf32, #tpu.memory_space<vmem_shared>>
      tpu.wait_dma2 semaphore(%run_scoped3A_207 : memref<!tpu.dma_semaphore, #tpu.memory_space<semaphore_mem>>) src(%dma_wait3A_217 : memref<640x128xf32, #tpu.memory_space<vmem_shared>>) dst(%dma_wait3A_215 : memref<640x128xf32, #tpu.memory_space<hbm>>)
      tpu.yield
    }) : () -> ()
    "tpu.region"() ({
      %run_scoped3A_207 = tpu.sem_alloc : memref<!tpu.dma_semaphore, #tpu.memory_space<semaphore_mem>>
      %dma_start3A_208 = tpu.memref_slice %arg17[%mul3A_0] : memref<10240xf32, #tpu.memory_space<vmem_shared>> -> memref<640xf32, #tpu.memory_space<vmem_shared>>
      %dma_start3A_209 = tpu.memref_slice %arg17[%mul3A_0] : memref<10240xf32, #tpu.memory_space<vmem_shared>> -> memref<640xf32, #tpu.memory_space<vmem_shared>>
      tpu.enqueue_dma source(%dma_start3A_209 : memref<640xf32, #tpu.memory_space<vmem_shared>>) target(%arg15 : memref<640xf32, #tpu.memory_space<vmem>>) target_semaphore(%run_scoped3A_207 : memref<!tpu.dma_semaphore, #tpu.memory_space<semaphore_mem>>)
      %dma_wait3A_210 = tpu.memref_slice %arg17[%mul3A_0] : memref<10240xf32, #tpu.memory_space<vmem_shared>> -> memref<640xf32, #tpu.memory_space<vmem_shared>>
      %dma_wait3A_211 = tpu.memref_slice %arg17[%mul3A_0] : memref<10240xf32, #tpu.memory_space<vmem_shared>> -> memref<640xf32, #tpu.memory_space<vmem_shared>>
      tpu.wait_dma2 semaphore(%run_scoped3A_207 : memref<!tpu.dma_semaphore, #tpu.memory_space<semaphore_mem>>) src(%dma_wait3A_211 : memref<640xf32, #tpu.memory_space<vmem_shared>>) dst(%arg15 : memref<640xf32, #tpu.memory_space<vmem>>)
      tpu.yield
    }) : () -> ()
    %eq3A = arith.constant 0 : i32
    %eq3A_200 = arith.cmpi eq, %arg0, %eq3A : i32
    %convert_element_type3A = arith.extui %eq3A_200 : i1 to i32
    %cond3A = arith.constant 0 : i32
    %cond3A_201 = arith.cmpi ne, %convert_element_type3A, %cond3A : i32
    scf.if %cond3A_201 {
      "tpu.region"() ({
        %run_scoped3A_207 = tpu.sem_alloc : memref<!tpu.dma_semaphore, #tpu.memory_space<semaphore_mem>>
        %dma_start3A_208 = tpu.memref_slice %arg5[%mul3A_0] : memref<10240xf32, #tpu.memory_space<hbm>> -> memref<640xf32, #tpu.memory_space<hbm>>
        %dma_start3A_209 = tpu.memref_slice %arg5[%mul3A_0] : memref<10240xf32, #tpu.memory_space<hbm>> -> memref<640xf32, #tpu.memory_space<hbm>>
        tpu.enqueue_dma source(%arg15 : memref<640xf32, #tpu.memory_space<vmem>>) target(%dma_start3A_209 : memref<640xf32, #tpu.memory_space<hbm>>) target_semaphore(%run_scoped3A_207 : memref<!tpu.dma_semaphore, #tpu.memory_space<semaphore_mem>>)
        %dma_wait3A_210 = tpu.memref_slice %arg5[%mul3A_0] : memref<10240xf32, #tpu.memory_space<hbm>> -> memref<640xf32, #tpu.memory_space<hbm>>
        %dma_wait3A_211 = tpu.memref_slice %arg5[%mul3A_0] : memref<10240xf32, #tpu.memory_space<hbm>> -> memref<640xf32, #tpu.memory_space<hbm>>
        tpu.wait_dma2 semaphore(%run_scoped3A_207 : memref<!tpu.dma_semaphore, #tpu.memory_space<semaphore_mem>>) src(%arg15 : memref<640xf32, #tpu.memory_space<vmem>>) dst(%dma_wait3A_211 : memref<640xf32, #tpu.memory_space<hbm>>)
        tpu.yield
      }) : () -> ()
    } else {
    }
    %eq3A_202 = arith.constant 1 : i32
    %eq3A_203 = arith.cmpi eq, %arg0, %eq3A_202 : i32
    %convert_element_type3A_204 = arith.extui %eq3A_203 : i1 to i32
    %cond3A_205 = arith.constant 0 : i32
    %cond3A_206 = arith.cmpi ne, %convert_element_type3A_204, %cond3A_205 : i32
    scf.if %cond3A_206 {
      "tpu.region"() ({
        %run_scoped3A_207 = tpu.sem_alloc : memref<!tpu.dma_semaphore, #tpu.memory_space<semaphore_mem>>
        %dma_start3A_208 = tpu.memref_slice %arg6[%mul3A_0] : memref<10240xf32, #tpu.memory_space<hbm>> -> memref<640xf32, #tpu.memory_space<hbm>>
        %dma_start3A_209 = tpu.memref_slice %arg6[%mul3A_0] : memref<10240xf32, #tpu.memory_space<hbm>> -> memref<640xf32, #tpu.memory_space<hbm>>
        tpu.enqueue_dma source(%arg15 : memref<640xf32, #tpu.memory_space<vmem>>) target(%dma_start3A_209 : memref<640xf32, #tpu.memory_space<hbm>>) target_semaphore(%run_scoped3A_207 : memref<!tpu.dma_semaphore, #tpu.memory_space<semaphore_mem>>)
        %dma_wait3A_210 = tpu.memref_slice %arg6[%mul3A_0] : memref<10240xf32, #tpu.memory_space<hbm>> -> memref<640xf32, #tpu.memory_space<hbm>>
        %dma_wait3A_211 = tpu.memref_slice %arg6[%mul3A_0] : memref<10240xf32, #tpu.memory_space<hbm>> -> memref<640xf32, #tpu.memory_space<hbm>>
        tpu.wait_dma2 semaphore(%run_scoped3A_207 : memref<!tpu.dma_semaphore, #tpu.memory_space<semaphore_mem>>) src(%arg15 : memref<640xf32, #tpu.memory_space<vmem>>) dst(%dma_wait3A_211 : memref<640xf32, #tpu.memory_space<hbm>>)
        tpu.yield
      }) : () -> ()
    } else {
    }
    return
  }
}

module attributes {stable_mosaic.version = 14 : i64} {
  func.func @_feat_body(%arg0: i32, %arg1: memref<2000x128xf32, #tpu.memory_space<vmem>>, %arg2: memref<128x128xf32, #tpu.memory_space<vmem>>, %arg3: memref<1x128xf32, #tpu.memory_space<vmem>>, %arg4: memref<2000x128xf32, #tpu.memory_space<vmem>>) attributes {dimension_semantics = [#tpu.dimension_semantics<arbitrary>], iteration_bounds = array<i64: 5>, scalar_prefetch = 0 : i64, scratch_operands = 0 : i64, tpu.core_type = #tpu.core_type<tc>, window_params = [{transform_indices = @transform_0, window_bounds = array<i64: 2000, 128>}, {pipeline_mode = #tpu.pipeline_mode<synchronous>, transform_indices = @transform_1, window_bounds = array<i64: 128, 128>}, {pipeline_mode = #tpu.pipeline_mode<synchronous>, transform_indices = @transform_2, window_bounds = array<i64: 1, 128>}, {transform_indices = @transform_3, window_bounds = array<i64: 2000, 128>}]} {
    %get3A = arith.constant 0 : index
    %get3A_0 = arith.constant 0 : index
    %get3A_1 = vector.load %arg1[%get3A, %get3A_0] : memref<2000x128xf32, #tpu.memory_space<vmem>>, vector<2000x128xf32>
    %get3A_2 = arith.constant 0 : index
    %get3A_3 = arith.constant 0 : index
    %get3A_4 = vector.load %arg2[%get3A_2, %get3A_3] : memref<128x128xf32, #tpu.memory_space<vmem>>, vector<128x128xf32>
    %dot_general3A = arith.constant dense<0.000000e+00> : vector<2000x128xf32>
    %dot_general3A_5 = tpu.matmul %get3A_1, %get3A_4, %dot_general3A {dimension_numbers = #tpu.dot_dimension_numbers<[1], [1], [0], [0], [0, 0, 1, 0], [], []>, transpose_lhs_hint = false} : vector<2000x128xf32>, vector<128x128xf32>, vector<2000x128xf32> -> vector<2000x128xf32>
    %get3A_6 = arith.constant 0 : index
    %get3A_7 = arith.constant 0 : index
    %get3A_8 = vector.load %arg3[%get3A_6, %get3A_7] : memref<1x128xf32, #tpu.memory_space<vmem>>, vector<1x128xf32>
    %add3A = vector.broadcast %get3A_8 : vector<1x128xf32> to vector<2000x128xf32>
    %add3A_9 = arith.addf %dot_general3A_5, %add3A : vector<2000x128xf32>
    %max3A = arith.constant 0.000000e+00 : f32
    %max3A_10 = vector.broadcast %max3A : f32 to vector<2000x128xf32>
    %max3A_11 = arith.maximumf %add3A_9, %max3A_10 : vector<2000x128xf32>
    %swap3A = arith.constant 0 : index
    %swap3A_12 = arith.constant 0 : index
    %swap3A_13 = vector.load %arg4[%swap3A, %swap3A_12] : memref<2000x128xf32, #tpu.memory_space<vmem>>, vector<2000x128xf32>
    tpu.vector_store %arg4[%swap3A, %swap3A_12], %max3A_11 {strides = array<i32>} : memref<2000x128xf32, #tpu.memory_space<vmem>>, vector<2000x128xf32>,
    return
  }
  func.func @transform_0(%arg0: i32) -> (i32, i32) {
    %c0_i32 = arith.constant 0 : i32
    %c0_i32_0 = arith.constant 0 : i32
    return %arg0, %c0_i32 : i32, i32
  }
  func.func @transform_1(%arg0: i32) -> (i32, i32) {
    %c0_i32 = arith.constant 0 : i32
    %c0_i32_0 = arith.constant 0 : i32
    %c0_i32_1 = arith.constant 0 : i32
    return %c0_i32, %c0_i32_0 : i32, i32
  }
  func.func @transform_2(%arg0: i32) -> (i32, i32) {
    %c0_i32 = arith.constant 0 : i32
    %c0_i32_0 = arith.constant 0 : i32
    %c0_i32_1 = arith.constant 0 : i32
    return %c0_i32, %c0_i32_0 : i32, i32
  }
  func.func @transform_3(%arg0: i32) -> (i32, i32) {
    %c0_i32 = arith.constant 0 : i32
    %c0_i32_0 = arith.constant 0 : i32
    return %arg0, %c0_i32 : i32, i32
  }
}

module attributes {stable_mosaic.version = 14 : i64} {
  func.func @_out_body(%arg0: i32, %arg1: memref<2x2000x128xf32, #tpu.memory_space<vmem>>, %arg2: memref<2000x1xf32, #tpu.memory_space<vmem>>, %arg3: memref<2000x128xf32, #tpu.memory_space<vmem>>, %arg4: memref<128x128xf32, #tpu.memory_space<vmem>>, %arg5: memref<1x128xf32, #tpu.memory_space<vmem>>, %arg6: memref<128x128xf32, #tpu.memory_space<vmem>>, %arg7: memref<2000x128xf32, #tpu.memory_space<vmem>>) attributes {dimension_semantics = [#tpu.dimension_semantics<arbitrary>], iteration_bounds = array<i64: 5>, scalar_prefetch = 0 : i64, scratch_operands = 0 : i64, tpu.core_type = #tpu.core_type<tc>, window_params = [{transform_indices = @transform_0, window_bounds = array<i64: 2, 2000, 128>}, {transform_indices = @transform_1, window_bounds = array<i64: 2000, 1>}, {transform_indices = @transform_2, window_bounds = array<i64: 2000, 128>}, {pipeline_mode = #tpu.pipeline_mode<synchronous>, transform_indices = @transform_3, window_bounds = array<i64: 128, 128>}, {pipeline_mode = #tpu.pipeline_mode<synchronous>, transform_indices = @transform_4, window_bounds = array<i64: 1, 128>}, {pipeline_mode = #tpu.pipeline_mode<synchronous>, transform_indices = @transform_5, window_bounds = array<i64: 128, 128>}, {transform_indices = @transform_6, window_bounds = array<i64: 2000, 128>}]} {
    %get3A = arith.constant 0 : index
    %get3A_0 = arith.constant 0 : index
    %get3A_1 = arith.constant 0 : index
    %get3A_2 = vector.load %arg1[%get3A, %get3A_0, %get3A_1] : memref<2x2000x128xf32, #tpu.memory_space<vmem>>, vector<1x2000x128xf32>
    %get3A_3 = vector.shape_cast %get3A_2 : vector<1x2000x128xf32> to vector<2000x128xf32>
    %get3A_4 = arith.constant 1 : index
    %get3A_5 = arith.constant 0 : index
    %get3A_6 = arith.constant 0 : index
    %get3A_7 = vector.load %arg1[%get3A_4, %get3A_5, %get3A_6] : memref<2x2000x128xf32, #tpu.memory_space<vmem>>, vector<1x2000x128xf32>
    %get3A_8 = vector.shape_cast %get3A_7 : vector<1x2000x128xf32> to vector<2000x128xf32>
    %add3A = arith.addf %get3A_3, %get3A_8 : vector<2000x128xf32>
    %get3A_9 = arith.constant 0 : index
    %get3A_10 = arith.constant 0 : index
    %get3A_11 = vector.load %arg2[%get3A_9, %get3A_10] : memref<2000x1xf32, #tpu.memory_space<vmem>>, vector<2000x1xf32>
    %max3A = arith.constant 1.000000e+00 : f32
    %max3A_12 = vector.broadcast %max3A : f32 to vector<2000x1xf32>
    %max3A_13 = arith.maximumf %get3A_11, %max3A_12 : vector<2000x1xf32>
    %div3A = vector.broadcast %max3A_13 : vector<2000x1xf32> to vector<2000x128xf32>
    %div3A_14 = arith.divf %add3A, %div3A : vector<2000x128xf32>
    %get3A_15 = arith.constant 0 : index
    %get3A_16 = arith.constant 0 : index
    %get3A_17 = vector.load %arg4[%get3A_15, %get3A_16] : memref<128x128xf32, #tpu.memory_space<vmem>>, vector<128x128xf32>
    %dot_general3A = arith.constant dense<0.000000e+00> : vector<2000x128xf32>
    %dot_general3A_18 = tpu.matmul %div3A_14, %get3A_17, %dot_general3A {dimension_numbers = #tpu.dot_dimension_numbers<[1], [1], [0], [0], [0, 0, 1, 0], [], []>, transpose_lhs_hint = false} : vector<2000x128xf32>, vector<128x128xf32>, vector<2000x128xf32> -> vector<2000x128xf32>
    %get3A_19 = arith.constant 0 : index
    %get3A_20 = arith.constant 0 : index
    %get3A_21 = vector.load %arg5[%get3A_19, %get3A_20] : memref<1x128xf32, #tpu.memory_space<vmem>>, vector<1x128xf32>
    %add3A_22 = vector.broadcast %get3A_21 : vector<1x128xf32> to vector<2000x128xf32>
    %add3A_23 = arith.addf %dot_general3A_18, %add3A_22 : vector<2000x128xf32>
    %get3A_24 = arith.constant 0 : index
    %get3A_25 = arith.constant 0 : index
    %get3A_26 = vector.load %arg3[%get3A_24, %get3A_25] : memref<2000x128xf32, #tpu.memory_space<vmem>>, vector<2000x128xf32>
    %get3A_27 = arith.constant 0 : index
    %get3A_28 = arith.constant 0 : index
    %get3A_29 = vector.load %arg6[%get3A_27, %get3A_28] : memref<128x128xf32, #tpu.memory_space<vmem>>, vector<128x128xf32>
    %dot_general3A_30 = arith.constant dense<0.000000e+00> : vector<2000x128xf32>
    %dot_general3A_31 = tpu.matmul %get3A_26, %get3A_29, %dot_general3A_30 {dimension_numbers = #tpu.dot_dimension_numbers<[1], [1], [0], [0], [0, 0, 1, 0], [], []>, transpose_lhs_hint = false} : vector<2000x128xf32>, vector<128x128xf32>, vector<2000x128xf32> -> vector<2000x128xf32>
    %add3A_32 = arith.addf %add3A_23, %dot_general3A_31 : vector<2000x128xf32>
    %swap3A = arith.constant 0 : index
    %swap3A_33 = arith.constant 0 : index
    %swap3A_34 = vector.load %arg7[%swap3A, %swap3A_33] : memref<2000x128xf32, #tpu.memory_space<vmem>>, vector<2000x128xf32>
    tpu.vector_store %arg7[%swap3A, %swap3A_33], %add3A_32 {strides = array<i32>} : memref<2000x128xf32, #tpu.memory_space<vmem>>, vector<2000x128xf32>,
    return
  }
  func.func @transform_0(%arg0: i32) -> (i32, i32, i32) {
    %c0_i32 = arith.constant 0 : i32
    %c0_i32_0 = arith.constant 0 : i32
    %c0_i32_1 = arith.constant 0 : i32
    return %c0_i32, %arg0, %c0_i32_0 : i32, i32, i32
  }
  func.func @transform_1(%arg0: i32) -> (i32, i32) {
    %c0_i32 = arith.constant 0 : i32
    %c0_i32_0 = arith.constant 0 : i32
    return %arg0, %c0_i32 : i32, i32
  }
  func.func @transform_2(%arg0: i32) -> (i32, i32) {
    %c0_i32 = arith.constant 0 : i32
    %c0_i32_0 = arith.constant 0 : i32
    return %arg0, %c0_i32 : i32, i32
  }
  func.func @transform_3(%arg0: i32) -> (i32, i32) {
    %c0_i32 = arith.constant 0 : i32
    %c0_i32_0 = arith.constant 0 : i32
    %c0_i32_1 = arith.constant 0 : i32
    return %c0_i32, %c0_i32_0 : i32, i32
  }
  func.func @transform_4(%arg0: i32) -> (i32, i32) {
    %c0_i32 = arith.constant 0 : i32
    %c0_i32_0 = arith.constant 0 : i32
    %c0_i32_1 = arith.constant 0 : i32
    return %c0_i32, %c0_i32_0 : i32, i32
  }
  func.func @transform_5(%arg0: i32) -> (i32, i32) {
    %c0_i32 = arith.constant 0 : i32
    %c0_i32_0 = arith.constant 0 : i32
    %c0_i32_1 = arith.constant 0 : i32
    return %c0_i32, %c0_i32_0 : i32, i32
  }
  func.func @transform_6(%arg0: i32) -> (i32, i32) {
    %c0_i32 = arith.constant 0 : i32
    %c0_i32_0 = arith.constant 0 : i32
    return %arg0, %c0_i32 : i32, i32
  }
}

</mosaic_0001>

<sc_bundles>
// kernel: kernel.5.cloned.1.call-start
scs
__scs_entry_jumppad:
0x0: {  	(pc) =	sbr.rel $0x88, $3  }
0x1: {  	(tag) =	ssettag $0x0;
	lr =	simm.s32 $0x1  }
0x2: {  	[smem:$0x3F9A] =	sst lr;
	_ =	strace $0xD0000000  }
0x3: {  	_ = 	snop  }
0x4: {  	_ = 	snop  }
0x5: {  	_ = 	snop  }
0x6: {  	_ = 	snop  }
0x7: {  	_ = 	snop  }
__scs_overlays_trampoline_lowered:
0x8: {  	[smem:$0x3FA9] =	sst s0  }
0x9: {  	[smem:$0x3FAA] =	sst s1  }
0xa: {  	[smem:$0x3FAB] =	sst s2  }
0xb: {  	[smem:$0x3FAC] =	sst s3  }
0xc: {  	[smem:$0x3FAD] =	sst s4  }
0xd: {  	[smem:$0x3FAE] =	sst s5  }
0xe: {  	[smem:$0x3FAF] =	sst s6  }
0xf: {  	[smem:$0x3FB0] =	sst s7  }
0x10: {  	[smem:$0x3FB1] =	sst s8  }
0x11: {  	[smem:$0x3FB2] =	sst s9;
	s0 =	simm.s32 @!p0 $0x0  }
0x12: {  	s1 =	sld [smem:$0x3F98];
	s0 =	simm.s32 @p0 $0x1  }
0x13: {  	[smem:$0x3FB3] =	sst s0;
	s0 =	simm.s32 @!p1 $0x0  }
0x14: {  	s2 =	sld [smem:$0x3F97];
	s0 =	simm.s32 @p1 $0x1  }
0x15: {  	[smem:$0x3FB4] =	sst s0;
	s0 =	simm.s32 @!p2 $0x0  }
0x16: {  	s3 =	sld [smem:$0x3FDB];
	s0 =	simm.s32 @p2 $0x1  }
0x17: {  	s4 =	simm.s32 $0x1BF5;
	[smem:$0x3FB6] =	sst s0  }
0x18: {  	s0 =	sld [smem:$0x3F99];
	_ =	swait.ge [sflag:s4], $0x0  }
0x19: {  	s7 =	sld [smem:$0x3F9A]  }
0x1a: {  	s8 =	sadd.s32 $0xFFFFE003, lr  }
0x1b: {  	s9 =	sadd.s32 $0xFFFFFEF7, lr;
	s5 =	simm.s32 $0xFFFFFFFF;
	p2 =	slt.u32 s8, $0xFFFFF086  }
0x1c: {  	p1 =	slt.u32 s9, $0xF7A;
	s5 =	simm.s32 @!p2 $0x0  }
0x1d: {  	s5 =	simm.s32 @p1 $0x1;
	p0 =	seq.s32 s7, s2  }
0x1e: {  	s7 =	smul.u32 @!p0 $0xF7A, s2;
	p2 =	seq.s32 @!p0 s5, $0x0  }
0x1f: {  	s9 =	smul.u32 $0xF7A, s1;
	s8 =	simm.s32 @!p0 $0x1BF5;
	p2 =	por !p2, p0  }
0x20: {  	[sflag:s8] =	ssyncset.s32 @!p0 $0xFFFFF086;
	s6 =	sadd.s32 @!p0 s3, s7;
	s7 =	simm.s32 @!p0 $0x108  }
0x21: {  	s3 =	sadd.s32 s3, s9;
	s6 =	sadd.s32 @!p0 $0x88, s6;
	s7 =	simm.s32 @p2 $0x1082  }
0x22: {  	[simem:s7], [sflag:s8] =	dma.local @!p0 [hbm:s6], $0xF7A  }
0x23: {  	s9 =	sor.u32 $0xD0000000, s2;
	s6 =	simm.s32 $0x108;
	_ =	swait.ge @!p0 [sflag:s8], $0x0  }
0x24: {  	s3 =	sadd.s32 $0x88, s3;
	s6 =	simm.s32 @!p1 $0x1082;
	[sflag:s4] =	ssyncset.s32 $0xFFFFF086  }
0x25: {  	[simem:s6], [sflag:s4] =	dma.local [hbm:s3], $0xF7A  }
0x26: {  	[smem:$0x3F9A] =	sst s1;
	(tag) =	ssettag s2;
	_ =	strace s9  }
0x27: {  	s1 =	sld [smem:$0x3FAA]  }
0x28: {  	s2 =	sld [smem:$0x3FAB]  }
0x29: {  	s4 =	sld [smem:$0x3FAD]  }
0x2a: {  	p0 =	seq.s32 s5, $0x0;
	s5 =	sld [smem:$0x3FAE]  }
0x2b: {  	s6 =	sld [smem:$0x3FAF]  }
0x2c: {  	s7 =	sld [smem:$0x3FB0]  }
0x2d: {  	s3 =	simm.s32 $0x108;
	s8 =	sld [smem:$0x3FB1]  }
0x2e: {  	s3 =	simm.s32 @!p0 $0x1082;
	s9 =	sld [smem:$0x3FB2]  }
0x2f: {  	lr =	sadd.s32 s0, s3;
	s0 =	sld [smem:$0x3FA9]  }
0x30: {  	s3 =	sld [smem:$0x3FAC]  }
0x31: {  	[smem:$0x3FB5] =	sst s10  }
0x32: {  	s10 =	sld [smem:$0x3FB3];
	_ =	sdelay $0x3  }
0x33: {  	p0 =	seq.s32 s10, $0x1;
	s10 =	sld [smem:$0x3FB5];
	_ =	sdelay $0x3  }
0x34: {  	[smem:$0x3FB5] =	sst s10  }
0x35: {  	s10 =	sld [smem:$0x3FB4];
	_ =	sdelay $0x3  }
0x36: {  	p1 =	seq.s32 s10, $0x1;
	s10 =	sld [smem:$0x3FB5];
	_ =	sdelay $0x3  }
0x37: {  	[smem:$0x3FB5] =	sst s10  }
0x38: {  	s10 =	sld [smem:$0x3FB6]  }
0x39: {  	_ = 	snop;
	(pc) =	sbr.ind lr, $3  }
0x3a: {  	_ = 	snop  }
0x3b: {  	_ = 	snop  }
0x3c: {  	p2 =	seq.s32 s10, $0x1;
	s10 =	sld [smem:$0x3FB5]  }
0x3d: {  	_ =	shalt  }
0x3e: {  	_ =	shalt  }
0x3f: {  	_ =	shalt  }
0x40: {  	_ =	shalt  }
0x41: {  	_ =	shalt  }
0x42: {  	_ =	shalt  }
0x43: {  	_ =	shalt  }
0x44: {  	_ =	shalt  }
0x45: {  	_ =	shalt  }
0x46: {  	_ =	shalt  }
0x47: {  	_ =	shalt  }
0x48: {  	_ =	shalt  }
0x49: {  	_ =	shalt  }
0x4a: {  	_ =	shalt  }
0x4b: {  	_ =	shalt  }
0x4c: {  	_ =	shalt  }
0x4d: {  	_ =	shalt  }
0x4e: {  	_ =	shalt  }
0x4f: {  	_ =	shalt  }
0x50: {  	_ =	shalt  }
0x51: {  	_ =	shalt  }
0x52: {  	_ =	shalt  }
0x53: {  	_ =	shalt  }
0x54: {  	_ =	shalt  }
0x55: {  	_ =	shalt  }
0x56: {  	_ =	shalt  }
0x57: {  	_ =	shalt  }
0x58: {  	_ =	shalt  }
0x59: {  	_ =	shalt  }
0x5a: {  	_ =	shalt  }
0x5b: {  	_ =	shalt  }
0x5c: {  	_ =	shalt  }
0x5d: {  	_ =	shalt  }
0x5e: {  	_ =	shalt  }
0x5f: {  	_ =	shalt  }
0x60: {  	_ =	shalt  }
0x61: {  	_ =	shalt  }
0x62: {  	_ =	shalt  }
0x63: {  	_ =	shalt  }
0x64: {  	_ =	shalt  }
0x65: {  	_ =	shalt  }
0x66: {  	_ =	shalt  }
0x67: {  	_ =	shalt  }
0x68: {  	_ =	shalt  }
0x69: {  	_ =	shalt  }
0x6a: {  	_ =	shalt  }
0x6b: {  	_ =	shalt  }
0x6c: {  	_ =	shalt  }
0x6d: {  	_ =	shalt  }
0x6e: {  	_ =	shalt  }
0x6f: {  	_ =	shalt  }
0x70: {  	_ =	shalt  }
0x71: {  	_ =	shalt  }
0x72: {  	_ =	shalt  }
0x73: {  	_ =	shalt  }
0x74: {  	_ =	shalt  }
0x75: {  	_ =	shalt  }
0x76: {  	_ =	shalt  }
0x77: {  	_ =	shalt  }
0x78: {  	_ =	shalt  }
0x79: {  	_ =	shalt  }
0x7a: {  	_ =	shalt  }
0x7b: {  	_ =	shalt  }
0x7c: {  	_ =	shalt  }
0x7d: {  	_ =	shalt  }
0x7e: {  	_ =	shalt  }
0x7f: {  	_ =	shalt  }
0x80: {  	_ =	shalt  }
0x81: {  	_ =	shalt  }
0x82: {  	_ =	shalt  }
0x83: {  	_ =	shalt  }
0x84: {  	_ =	shalt  }
0x85: {  	_ =	shalt  }
0x86: {  	_ =	shalt  }
0x87: {  	_ =	shalt  }
.Lfunc_end0:
.L_simem_size_0:
called_computation_lowered:
.L_overlay_start_0:
0x88: {  	s2 =	sld [smem:$0x3FD9]  }
0x89: {  	s3 =	sld [smem:$0x3FFE];
	_ =	sdelay $0x1  }
0x8a: {  	s1 =	srdreg.scid  }
0x8b: {  	s0 =	sand.u32 $0x1, s1  }
0x8c: {  	s14 =	sshll.u32 s0, $0xA;
	s2 =	sadd.s32 s3, s2  }
0x8d: {  	s2 =	sadd.s32 s2, s14  }
0x8e: {  	[smem:$0x3FC1] =	sst s2  }
0x8f: {  	_ = 	snop  }
0x90: {  	s2 =	sld [smem:$0x3FD0];
	_ =	sdelay $0x2  }
0x91: {  	s15 =	simm.s32 $0xA;
	s4 =	simm.s32 $0x10  }
0x92: {  	[smem:s4], [sflag:s15] =	dma.local [hbm:s2], $0x1  }
0x93: {  	_ =	swait.eq [sflag:s15], $0x1  }
0x94: {  	[sflag:s15] =	ssyncset.done $0x0  }
0x95: {  	s16 =	sld [smem:$0x10];
	[sflag:s15] =	ssyncadd.s32 $0xFFFFFFFF  }
0x96: {  	s17 =	sld [smem:$0x11];
	(tm) =	ssettm $0x1  }
0x97: {  	s18 =	sld [smem:$0x3FFB];
	_ =	sdelay $0x3  }
0x98: {  	_ =	strace s18  }
0x99: {  	s4 =	sld [smem:$0x3FFC];
	_ =	sdelay $0x3  }
0x9a: {  	_ =	strace s4  }
0x9b: {  	s4 =	sld [smem:$0x3FFD];
	_ =	sdelay $0x3  }
0x9c: {  	_ =	strace s4  }
0x9d: {  	_ =	strace $0x8FFFFFFF  }
0x9e: {  	s19 =	sld [smem:$0x3FDB];
	_ =	sdelay $0x1  }
0x9f: {  	s5 =	simm.s32 $_scs_section_size  }
0xa0: {  	s6 =	simm.s32 $_size__tile_overlayer_lowered;
	s7 =	simm.s32 $_tile_overlayer_lowered  }
0xa1: {  	s22 =	simm.s32 $0x1BFF;
	s21 =	sshll.u32 s7, $0x1;
	s4 =	sadd.s32 s5, s19  }
0xa2: {  	s8 =	simm.s32 $0x0;
	s20 =	sshll.u32 s6, $0x1;
	s6 =	sadd.s32 s21, s4  }
0xa3: {  	[timem:s8], [sflag:s22] =	dma.local [hbm:s6], s20  }
0xa4: {  	_ =	swait.ge [sflag:s22], s20  }
0xa5: {  	s5 =	ssub.s32 $0x0, s20;
	[sflag:s22] =	ssyncset.done $0x0  }
0xa6: {  	[sflag:s22] =	ssyncadd.s32 s5;
	_ =	sdelay $0x1  }
0xa7: {  	s23 =	simm.s32 $0x1B8B  }
0xa8: {  	_ =	swait.ge [sflag:s23], $0x1  }
0xa9: {  	[sflag:s23] =	ssyncset.done $0x0  }
0xaa: {  	s25 =	simm.s32 $0x1B8E;
	s24 =	sld [smem:$0x3FFE];
	[sflag:s23] =	ssyncadd.s32 $0xFFFFFFFF  }
0xab: {  	s26 =	simm.s32 $execute0_lowered;
	[smem:$0x3FD2] =	sst s25  }
0xac: {  	s6 =	sshll.u32 s26, $0x1;
	_ =	strace $0x80000046;
	[dreg:$0x1] =	wrdreg $0xFFFFFFFF  }
0xad: {  	s28 =	simm.s32 $_size_execute0_lowered;
	s4 =	sadd.s32 s4, s6;
	[dreg:$0x0] =	wrdreg $0x0  }
0xae: {  	s6 =	sshll.u32 s28, $0x1;
	[dreg:$0x2] =	wrdreg s4  }
0xaf: {  	[dreg:$0x3] =	wrdreg s6  }
0xb0: {  	[dreg:$0x4] =	wrdreg $0xC0  }
0xb1: {  	_ =	task [dreg:s8], $0x5FFFF  }
0xb2: {  	[dreg:$0x1] =	wrdreg $0xFFFFFFFF  }
0xb3: {  	[dreg:$0x0] =	wrdreg $0x60  }
0xb4: {  	[dreg:$0x2] =	wrdreg s16  }
0xb5: {  	[dreg:$0x3] =	wrdreg s17  }
0xb6: {  	[dreg:$0x4] =	wrdreg s24  }
0xb7: {  	[dreg:$0x5] =	wrdreg $0xAD000  }
0xb8: {  	[dreg:$0x6] =	wrdreg $0x1ED000  }
0xb9: {  	[dreg:$0x7] =	wrdreg $0x9  }
0xba: {  	_ =	task.clear_ibuf [dreg:s8], $0x8FFFF;
	_ =	strace $0x90000046  }
0xbb: {  	s29 =	simm.s32 $0x9;
	_ =	strace $0x80000048  }
0xbc: {  	_ =	swait.ge [sflag:s29], $0x1  }
0xbd: {  	[sflag:s29] =	ssyncadd.s32 $0xFFFFFFFF  }
0xbe: {  	_ =	strace $0x90000048  }
0xbf: {  	_ =	sfence  }
0xc0: {  	s30 =	sld [smem:$0x0];
	_ =	sdelay $0x2  }
0xc1: {  	s31 =	sshll.u32 s1, $0xD;
	s1 =	sshrl.u32 s1, $0x2  }
0xc2: {  	s3 =	sand.u32 $0x4000, s31;
	s1 =	sadd.s32 s1, s30  }
0xc3: {  	s0 =	sor.u32 s3, s0;
	s1 =	sshll.u32 s1, $0x11  }
0xc4: {  	s0 =	sor.u32 s1, s0  }
0xc5: {  	s0 =	sadd.s32 $0x8F2B, s0  }
0xc6: {  	[sflag:s0] =	ssyncadd.remote.s32 $0x1  }
0xc7: {  	_ =	sfence.sel $0xFFFF  }
0xc8: {  	[dreg:$0x0] =	wrdreg $0xFFFFFFFF;
	(pc) =	sbr.abs _section_cstart, $3  }
0xc9: {  	[dreg:$0x1] =	wrdreg $0xFFFFFFFF  }
0xca: {  	_ =	task.clear_ibuf [dreg:s8], $0x2FFFF;
	_ =	strace $0x9FFFFFFF  }
0xcb: {  	(tm) =	ssettm $0x7FFFFFFF  }
tec
execute0_lowered:
.L_overlay_start_1:
0x0: {  	(tag) =	ssettag $0x1  }
0x1: {  	s0 =	rddreg [dreg:$0x0]  }
0x2: {  	s1 =	rddreg [dreg:$0x1]  }
0x3: {  	s2 =	rddreg [dreg:$0x2]  }
0x4: {  	s3 =	rddreg [dreg:$0x3];
	s11 =	stileid.u32  }
0x5: {  	s5 =	srdreg.scid;
	s7 =	smul.u32 $0x14000, s11  }
0x6: {  	s4 =	rddreg [dreg:$0x4];
	s8 =	simm.s32 $0x0;
	s18 =	smul.u32 $0x280, s11  }
0x7: {  	s28 =	simm.s32 $0x2880;
	s29 =	simm.s32 $0xAA00;
	s9 =	smul.u32 $0x50000, s11  }
0x8: {  	s30 =	simm.s32 $0x2;
	s5 =	sand.u32 $0x1, s5;
	s19 =	smul.u32 $0x2800, s11  }
0x9: {  	s31 =	simm.s32 $0x2980;
	[smem:$0x7FF] =	sst s8;
	s6 =	smul.u32 $0x140000, s5  }
0xa: {  	s20 =	ssub.s32 $0x2, s5;
	_ =	strace $0x80000047;
	s16 =	smul.u32 $0x28000, s5  }
0xb: {  	p0 =	seq.s32 s5, $0x1;
	s5 =	simm.s32 $0x1600;
	s21 =	sshrl.u32 s20, $0x1  }
0xc: {  	s22 =	sshrl.u32 s9, $0x2;
	s12 =	sadd.s32 $0x80, s18;
	s13 =	sadd.s32 $0x100, s18  }
0xd: {  	s14 =	sadd.s32 $0x180, s18;
	s15 =	sadd.s32 $0x200, s18;
	s11 =	sadd.s32 s18, s4  }
0xe: {  	s5 =	simm.s32 @!p0 $0x1000;
	s26 =	sshrl.u32 s18, $0x3;
	s6 =	sadd.s32 s7, s6  }
0xf: {  	s7 =	ssub.s32 s20, s21;
	s23 =	sshll.u32 s12, $0x7;
	s24 =	sshll.u32 s13, $0x7  }
0x10: {  	s25 =	sshll.u32 s14, $0x7;
	s10 =	sshll.u32 s15, $0x7;
	s12 =	sadd.s32 s12, s4  }
0x11: {  	s13 =	sadd.s32 s13, s4;
	s14 =	sadd.s32 s14, s4;
	s16 =	sadd.s32 s19, s16  }
0x12: {  	s15 =	sadd.s32 s15, s4;
	s20 =	simm.s32 $0x2A00;
	s21 =	simm.s32 $0x3  }
0x13: {  	s6 =	sshrl.u32 s6, $0x3;
	s8 =	sadd.s32 s23, s3;
	s9 =	sadd.s32 s25, s3  }
0x14: {  	s10 =	sadd.s32 s10, s3;
	s16 =	sshrl.u32 s16, $0x3;
	s18 =	smax.u32 s7, $0x1  }
0x15: {  	s23 =	simm.s32 $0x2800;
	s25 =	simm.s32 $0x6A00;
	s17 =	sadd.s32 s6, s2  }
0x16: {  	s6 =	sadd.s32 s22, s3;
	[dreg:$0x6] =	wrdreg s8;
	s8 =	sadd.s32 s24, s3  }
0x17: {  	s16 =	sadd.s32 s1, s16;
	s2 =	sadd.s32 s5, s2;
	s22 =	simm.s32 $0x80  }
0x18: {  	s24 =	simm.s32 $0x2900;
	s1 =	simm.s32 $0xAA80;
	s5 =	simm.s32 $0x0  }
0x19: {  	v0 =	vimm.f32 $0.0e+00;
	v1 =	vimm.f32 $1.000000000e+00;
	s17 =	sadd.s32 $0x1C00, s17;
	s19 =	sadd.s32 s2, s26;
	s26 =	simm.s32 $0x1  }
.LBB2_1:
0x1a: {  	[tilespmem:$0x2A00] =	vst v0  }
0x1b: {  	[tilespmem:$0x2A10] =	vst v0  }
0x1c: {  	[tilespmem:$0x2A20] =	vst v0  }
0x1d: {  	[tilespmem:$0x2A30] =	vst v0  }
0x1e: {  	[tilespmem:$0x2A40] =	vst v0  }
0x1f: {  	[tilespmem:$0x2A50] =	vst v0  }
0x20: {  	[tilespmem:$0x2A60] =	vst v0  }
0x21: {  	[tilespmem:$0x2A70] =	vst v0  }
0x22: {  	[tilespmem:$0xAA00] =	vst v1  }
0x23: {  	[tilespmem:$0x2A80] =	vst v0  }
0x24: {  	[tilespmem:$0x2A90] =	vst v0  }
0x25: {  	[tilespmem:$0x2AA0] =	vst v0  }
0x26: {  	[tilespmem:$0x2AB0] =	vst v0  }
0x27: {  	[tilespmem:$0x2AC0] =	vst v0  }
0x28: {  	[tilespmem:$0x2AD0] =	vst v0  }
0x29: {  	[tilespmem:$0x2AE0] =	vst v0  }
0x2a: {  	[tilespmem:$0x2AF0] =	vst v0  }
0x2b: {  	[tilespmem:$0xAA10] =	vst v1  }
0x2c: {  	[tilespmem:$0x2B00] =	vst v0  }
0x2d: {  	[tilespmem:$0x2B10] =	vst v0  }
0x2e: {  	[tilespmem:$0x2B20] =	vst v0  }
0x2f: {  	[tilespmem:$0x2B30] =	vst v0  }
0x30: {  	[tilespmem:$0x2B40] =	vst v0  }
0x31: {  	[tilespmem:$0x2B50] =	vst v0  }
0x32: {  	[tilespmem:$0x2B60] =	vst v0  }
0x33: {  	[tilespmem:$0x2B70] =	vst v0  }
0x34: {  	[tilespmem:$0xAA20] =	vst v1  }
0x35: {  	[tilespmem:$0x2B80] =	vst v0  }
0x36: {  	[tilespmem:$0x2B90] =	vst v0  }
0x37: {  	[tilespmem:$0x2BA0] =	vst v0  }
0x38: {  	[tilespmem:$0x2BB0] =	vst v0  }
0x39: {  	[tilespmem:$0x2BC0] =	vst v0  }
0x3a: {  	[tilespmem:$0x2BD0] =	vst v0  }
0x3b: {  	[tilespmem:$0x2BE0] =	vst v0  }
0x3c: {  	[tilespmem:$0x2BF0] =	vst v0  }
0x3d: {  	[tilespmem:$0xAA30] =	vst v1  }
0x3e: {  	[tilespmem:$0x2C00] =	vst v0  }
0x3f: {  	[tilespmem:$0x2C10] =	vst v0  }
0x40: {  	[tilespmem:$0x2C20] =	vst v0  }
0x41: {  	[tilespmem:$0x2C30] =	vst v0  }
0x42: {  	[tilespmem:$0x2C40] =	vst v0  }
0x43: {  	[tilespmem:$0x2C50] =	vst v0  }
0x44: {  	[tilespmem:$0x2C60] =	vst v0  }
0x45: {  	[tilespmem:$0x2C70] =	vst v0  }
0x46: {  	[tilespmem:$0xAA40] =	vst v1  }
0x47: {  	[tilespmem:$0x2C80] =	vst v0  }
0x48: {  	[tilespmem:$0x2C90] =	vst v0  }
0x49: {  	[tilespmem:$0x2CA0] =	vst v0  }
0x4a: {  	[tilespmem:$0x2CB0] =	vst v0  }
0x4b: {  	[tilespmem:$0x2CC0] =	vst v0  }
0x4c: {  	[tilespmem:$0x2CD0] =	vst v0  }
0x4d: {  	[tilespmem:$0x2CE0] =	vst v0  }
0x4e: {  	[tilespmem:$0x2CF0] =	vst v0  }
0x4f: {  	[tilespmem:$0xAA50] =	vst v1  }
0x50: {  	[tilespmem:$0x2D00] =	vst v0  }
0x51: {  	[tilespmem:$0x2D10] =	vst v0  }
0x52: {  	[tilespmem:$0x2D20] =	vst v0  }
0x53: {  	[tilespmem:$0x2D30] =	vst v0  }
0x54: {  	[tilespmem:$0x2D40] =	vst v0  }
0x55: {  	[tilespmem:$0x2D50] =	vst v0  }
0x56: {  	[tilespmem:$0x2D60] =	vst v0  }
0x57: {  	[tilespmem:$0x2D70] =	vst v0  }
0x58: {  	[tilespmem:$0xAA60] =	vst v1  }
0x59: {  	[tilespmem:$0x2D80] =	vst v0  }
0x5a: {  	[tilespmem:$0x2D90] =	vst v0  }
0x5b: {  	[tilespmem:$0x2DA0] =	vst v0  }
0x5c: {  	[tilespmem:$0x2DB0] =	vst v0  }
0x5d: {  	[tilespmem:$0x2DC0] =	vst v0  }
0x5e: {  	[tilespmem:$0x2DD0] =	vst v0  }
0x5f: {  	[tilespmem:$0x2DE0] =	vst v0  }
0x60: {  	[tilespmem:$0x2DF0] =	vst v0  }
0x61: {  	[tilespmem:$0xAA70] =	vst v1;
	s2 =	simm.s32 $0x0;
	s7 =	simm.s32 $0x200  }
.LBB2_2:
0x62: {  	p0 =	sne.s32 s7, $0xEE00;
	[tilespmem:s2+$0x2E70] =	vst v0  }
0x63: {  	[tilespmem:s2+$0x2E00] =	vst v0  }
0x64: {  	[tilespmem:s2+$0x2E10] =	vst v0  }
.Ltmp0:
0x65: {  	[tilespmem:s2+$0x2E20] =	vst v0;
	(pc) =	sbr.rel @p0 .LBB2_2-.Ltmp0, $4  }
0x66: {  	[tilespmem:s2+$0x2E30] =	vst v0  }
0x67: {  	[tilespmem:s2+$0x2E40] =	vst v0  }
0x68: {  	[tilespmem:s2+$0x2E50] =	vst v0  }
0x69: {  	[tilespmem:s2+$0x2E60] =	vst v0;
	s2 =	sshra.s32 s7, $0x2;
	s7 =	sadd.s32 $0x200, s7  }
0x6a: {  	[tilespmem:s2+$0x2E70] =	vst v0  }
0x6b: {  	[tilespmem:s2+$0x2E00] =	vst v0  }
0x6c: {  	[tilespmem:s2+$0x2E10] =	vst v0  }
0x6d: {  	[tilespmem:s2+$0x2E20] =	vst v0  }
0x6e: {  	[tilespmem:s2+$0x2E30] =	vst v0  }
0x6f: {  	[tilespmem:s2+$0x2E40] =	vst v0  }
0x70: {  	[tilespmem:s2+$0x2E50] =	vst v0  }
0x71: {  	[tilespmem:s2+$0x2E60] =	vst v0  }
0x72: {  	[spmem:s6] =	stream.linear.scatter [tilespmem:s20], [sflag:$0x3], $0x4000, $0x38;
	[tilespmem:$0x1EF80] =	vst v63  }
0x73: {  	_ =	swait.ge [sflag:s21], $0x4000  }
0x74: {  	[sflag:s21] =	ssyncset.done $0x0  }
0x75: {  	s7 =	rddreg [dreg:$0x6];
	[sflag:s21] =	ssyncadd.s32 $0xFFFFC000  }
0x76: {  	[spmem:s7] =	stream.linear.scatter [tilespmem:s20], [sflag:$0x3], $0x4000, $0x38;
	[tilespmem:$0x1EF80] =	vst v63  }
0x77: {  	_ =	swait.ge [sflag:s21], $0x4000  }
0x78: {  	[sflag:s21] =	ssyncset.done $0x0  }
0x79: {  	[sflag:s21] =	ssyncadd.s32 $0xFFFFC000  }
0x7a: {  	[spmem:s8] =	stream.linear.scatter [tilespmem:s20], [sflag:$0x3], $0x4000, $0x38;
	[tilespmem:$0x1EF80] =	vst v63  }
0x7b: {  	_ =	swait.ge [sflag:s21], $0x4000  }
0x7c: {  	[sflag:s21] =	ssyncset.done $0x0  }
0x7d: {  	[sflag:s21] =	ssyncadd.s32 $0xFFFFC000  }
0x7e: {  	[spmem:s9] =	stream.linear.scatter [tilespmem:s20], [sflag:$0x3], $0x4000, $0x38;
	[tilespmem:$0x1EF80] =	vst v63  }
0x7f: {  	_ =	swait.ge [sflag:s21], $0x4000  }
0x80: {  	[sflag:s21] =	ssyncset.done $0x0  }
0x81: {  	[sflag:s21] =	ssyncadd.s32 $0xFFFFC000  }
0x82: {  	[spmem:s10] =	stream.linear.scatter [tilespmem:s20], [sflag:$0x3], $0x4000, $0x38;
	[tilespmem:$0x1EF80] =	vst v63  }
0x83: {  	_ =	swait.ge [sflag:s21], $0x4000  }
0x84: {  	[sflag:s21] =	ssyncset.done $0x0  }
0x85: {  	[sflag:s21] =	ssyncadd.s32 $0xFFFFC000  }
0x86: {  	[spmem:s11] =	stream.linear.scatter [tilespmem:s20], [sflag:$0x3], $0x80, $0x38;
	[tilespmem:$0x1EF80] =	vst v63  }
0x87: {  	_ =	swait.ge [sflag:s21], $0x80  }
0x88: {  	[sflag:s21] =	ssyncset.done $0x0  }
0x89: {  	[sflag:s21] =	ssyncadd.s32 $0xFFFFFF80  }
0x8a: {  	[spmem:s12] =	stream.linear.scatter [tilespmem:s20], [sflag:$0x3], $0x80, $0x38;
	[tilespmem:$0x1EF80] =	vst v63  }
0x8b: {  	_ =	swait.ge [sflag:s21], $0x80  }
0x8c: {  	[sflag:s21] =	ssyncset.done $0x0  }
0x8d: {  	[sflag:s21] =	ssyncadd.s32 $0xFFFFFF80  }
0x8e: {  	[spmem:s13] =	stream.linear.scatter [tilespmem:s20], [sflag:$0x3], $0x80, $0x38;
	[tilespmem:$0x1EF80] =	vst v63  }
0x8f: {  	_ =	swait.ge [sflag:s21], $0x80  }
0x90: {  	[sflag:s21] =	ssyncset.done $0x0  }
0x91: {  	[sflag:s21] =	ssyncadd.s32 $0xFFFFFF80  }
0x92: {  	[spmem:s14] =	stream.linear.scatter [tilespmem:s20], [sflag:$0x3], $0x80, $0x38;
	[tilespmem:$0x1EF80] =	vst v63  }
0x93: {  	_ =	swait.ge [sflag:s21], $0x80  }
0x94: {  	[sflag:s21] =	ssyncset.done $0x0  }
0x95: {  	[sflag:s21] =	ssyncadd.s32 $0xFFFFFF80  }
0x96: {  	[spmem:s15] =	stream.linear.scatter [tilespmem:s20], [sflag:$0x3], $0x80, $0x38;
	[tilespmem:$0x1EF80] =	vst v63  }
0x97: {  	_ =	swait.ge [sflag:s21], $0x80  }
0x98: {  	[sflag:s21] =	ssyncset.done $0x0  }
0x99: {  	[sflag:s21] =	ssyncadd.s32 $0xFFFFFF80  }
0x9a: {  	s7 =	simm.s32 $0x0;
	[bflag:$0x0] =	sbarrier.arrive $0xFFFF  }
0x9b: {  	[tilespmem:s7], [sflag:$0x3] =	stream.linear.gather [hbm4b:s16+s7], $0x2780, $0x38;
	[tilespmem:$0x1EF80] =	vst v63  }
0x9c: {  	_ =	swait.ge [sflag:s21], $0x2780  }
0x9d: {  	[sflag:s21] =	ssyncset.done $0x0  }
0x9e: {  	[sflag:s21] =	ssyncadd.s32 $0xFFFFD880  }
0x9f: {  	v2 =	vld [tilespmem:$0x0];
	_ =	sdelay $0x1  }
0xa0: {  	v3 =	vld [tilespmem:$0x10];
	_ =	sdelay $0x1  }
0xa1: {  	v4 =	vld [tilespmem:$0x20]  }
0xa2: {  	v5 =	vand.u32 $0xFFFF, v2  }
0xa3: {  	v61 =	vld [tilespmem:$0x30];
	v2 =	vshrl.u32 v2, $0x10;
	[tilespmem:$0x2800] =	vst v5  }
0xa4: {  	[tilespmem:$0x2880] =	vst v2;
	v2 =	vand.u32 $0xFFFF, v3  }
0xa5: {  	[tilespmem:$0x2810] =	vst v2;
	v2 =	vshrl.u32 v3, $0x10;
	v3 =	vld [tilespmem:$0x40]  }
0xa6: {  	[tilespmem:$0x2890] =	vst v2;
	v2 =	vand.u32 $0xFFFF, v4  }
0xa7: {  	v62 =	vld [tilespmem:$0x50];
	[tilespmem:$0x2820] =	vst v2;
	v2 =	vshrl.u32 v4, $0x10  }
0xa8: {  	[tilespmem:$0x28A0] =	vst v2;
	v2 =	vand.u32 $0xFFFF, v61  }
0xa9: {  	v63 =	vld [tilespmem:$0x60];
	[tilespmem:$0x2830] =	vst v2;
	v2 =	vshrl.u32 v61, $0x10  }
0xaa: {  	[tilespmem:$0x28B0] =	vst v2;
	v2 =	vand.u32 $0xFFFF, v3  }
0xab: {  	[tilespmem:$0x2840] =	vst v2;
	v2 =	vshrl.u32 v3, $0x10;
	v3 =	vld [tilespmem:$0x70]  }
0xac: {  	[tilespmem:$0x28C0] =	vst v2;
	v2 =	vand.u32 $0xFFFF, v62  }
0xad: {  	[tilespmem:$0x2850] =	vst v2;
	v2 =	vshrl.u32 v62, $0x10  }
0xae: {  	[tilespmem:$0x28D0] =	vst v2;
	v2 =	vand.u32 $0xFFFF, v63  }
0xaf: {  	[tilespmem:$0x2860] =	vst v2;
	v2 =	vshrl.u32 v63, $0x10  }
0xb0: {  	[tilespmem:$0x28E0] =	vst v2;
	v2 =	vand.u32 $0xFFFF, v3  }
0xb1: {  	[tilespmem:$0x2870] =	vst v2;
	v2 =	vshrl.u32 v3, $0x10  }
0xb2: {  	s7 =	simm.s32 $0x0;
	[tilespmem:$0x28F0] =	vst v2  }
0xb3: {  	[tilespmem:s20], [sflag:$0x1] =	stream.indirect.gather [hbm4b:s0+s22], $0x80, s23, s22, $0xb8;
	[tilespmem:$0x1EF80] =	vst v63  }
0xb4: {  	v2 =	vld [tilespmem:s7+$0x80];
	_ =	sdelay $0x4  }
0xb5: {  	v3 =	vand.u32 $0xFFFF, v2  }
0xb6: {  	v2 =	vshrl.u32 v2, $0x10;
	[tilespmem:$0x2900] =	vst v3  }
0xb7: {  	[tilespmem:$0x2980] =	vst v2  }
0xb8: {  	v2 =	vld [tilespmem:s7+$0x90];
	_ =	sdelay $0x4  }
0xb9: {  	v3 =	vand.u32 $0xFFFF, v2  }
0xba: {  	v2 =	vshrl.u32 v2, $0x10;
	[tilespmem:$0x2910] =	vst v3  }
0xbb: {  	[tilespmem:$0x2990] =	vst v2  }
0xbc: {  	v2 =	vld [tilespmem:s7+$0xA0];
	_ =	sdelay $0x4  }
0xbd: {  	v3 =	vand.u32 $0xFFFF, v2  }
0xbe: {  	v2 =	vshrl.u32 v2, $0x10;
	[tilespmem:$0x2920] =	vst v3  }
0xbf: {  	[tilespmem:$0x29A0] =	vst v2  }
0xc0: {  	v2 =	vld [tilespmem:s7+$0xB0];
	_ =	sdelay $0x4  }
0xc1: {  	v3 =	vand.u32 $0xFFFF, v2  }
0xc2: {  	v2 =	vshrl.u32 v2, $0x10;
	[tilespmem:$0x2930] =	vst v3  }
0xc3: {  	[tilespmem:$0x29B0] =	vst v2  }
0xc4: {  	v2 =	vld [tilespmem:s7+$0xC0];
	_ =	sdelay $0x4  }
0xc5: {  	v3 =	vand.u32 $0xFFFF, v2  }
0xc6: {  	v2 =	vshrl.u32 v2, $0x10;
	[tilespmem:$0x2940] =	vst v3  }
0xc7: {  	[tilespmem:$0x29C0] =	vst v2  }
0xc8: {  	v2 =	vld [tilespmem:s7+$0xD0];
	_ =	sdelay $0x4  }
0xc9: {  	v3 =	vand.u32 $0xFFFF, v2  }
0xca: {  	v2 =	vshrl.u32 v2, $0x10;
	[tilespmem:$0x2950] =	vst v3  }
0xcb: {  	[tilespmem:$0x29D0] =	vst v2  }
0xcc: {  	v2 =	vld [tilespmem:s7+$0xE0];
	_ =	sdelay $0x4  }
0xcd: {  	v3 =	vand.u32 $0xFFFF, v2  }
0xce: {  	v2 =	vshrl.u32 v2, $0x10;
	[tilespmem:$0x2960] =	vst v3  }
0xcf: {  	[tilespmem:$0x29E0] =	vst v2  }
0xd0: {  	v2 =	vld [tilespmem:s7+$0xF0];
	_ =	sdelay $0x4  }
0xd1: {  	v3 =	vand.u32 $0xFFFF, v2  }
0xd2: {  	v2 =	vshrl.u32 v2, $0x10;
	[tilespmem:$0x2970] =	vst v3  }
0xd3: {  	[tilespmem:$0x29F0] =	vst v2  }
0xd4: {  	[tilespmem:s25], [sflag:$0x2] =	stream.indirect.gather [hbm4b:s0+s22], $0x80, s24, s22, $0xb8;
	[tilespmem:$0x1EF80] =	vst v63  }
0xd5: {  	_ =	swait.ge [sflag:s26], $0x4000  }
0xd6: {  	[sflag:s26] =	ssyncset.done $0x0  }
0xd7: {  	[sflag:s26] =	ssyncadd.s32 $0xFFFFC000  }
0xd8: {  	[spmem:s3] =	stream.indirect.scatter.add.f32 [tilespmem:s20], [sflag:$0x3], $0x80, s28, s22, $0xb8;
	[tilespmem:$0x1EF80] =	vst v63  }
0xd9: {  	_ =	swait.ge [sflag:s21], $0x4000  }
0xda: {  	[sflag:s21] =	ssyncset.done $0x0  }
0xdb: {  	[sflag:s21] =	ssyncadd.s32 $0xFFFFC000  }
0xdc: {  	[spmem:s4] =	stream.indirect.scatter.add.f32 [tilespmem:s29], [sflag:$0x3], $0x1, s28, s22, $0xb8;
	[tilespmem:$0x1EF80] =	vst v63  }
0xdd: {  	_ =	swait.ge [sflag:s21], $0x80  }
0xde: {  	[sflag:s21] =	ssyncset.done $0x0  }
0xdf: {  	[sflag:s21] =	ssyncadd.s32 $0xFFFFFF80  }
0xe0: {  	v2 =	vld [tilespmem:s7+$0x100];
	_ =	sdelay $0x4  }
0xe1: {  	v3 =	vand.u32 $0xFFFF, v2  }
0xe2: {  	v2 =	vshrl.u32 v2, $0x10;
	[tilespmem:$0x2800] =	vst v3  }
0xe3: {  	[tilespmem:$0x2880] =	vst v2  }
0xe4: {  	v2 =	vld [tilespmem:s7+$0x110];
	_ =	sdelay $0x4  }
0xe5: {  	v3 =	vand.u32 $0xFFFF, v2  }
0xe6: {  	v2 =	vshrl.u32 v2, $0x10;
	[tilespmem:$0x2810] =	vst v3  }
0xe7: {  	[tilespmem:$0x2890] =	vst v2  }
0xe8: {  	v2 =	vld [tilespmem:s7+$0x120];
	_ =	sdelay $0x4  }
0xe9: {  	v3 =	vand.u32 $0xFFFF, v2  }
0xea: {  	v2 =	vshrl.u32 v2, $0x10;
	[tilespmem:$0x2820] =	vst v3  }
0xeb: {  	[tilespmem:$0x28A0] =	vst v2  }
0xec: {  	v2 =	vld [tilespmem:s7+$0x130];
	_ =	sdelay $0x4  }
0xed: {  	v3 =	vand.u32 $0xFFFF, v2  }
0xee: {  	v2 =	vshrl.u32 v2, $0x10;
	[tilespmem:$0x2830] =	vst v3  }
0xef: {  	[tilespmem:$0x28B0] =	vst v2  }
0xf0: {  	v2 =	vld [tilespmem:s7+$0x140];
	_ =	sdelay $0x4  }
0xf1: {  	v3 =	vand.u32 $0xFFFF, v2  }
0xf2: {  	v2 =	vshrl.u32 v2, $0x10;
	[tilespmem:$0x2840] =	vst v3  }
0xf3: {  	[tilespmem:$0x28C0] =	vst v2  }
0xf4: {  	v2 =	vld [tilespmem:s7+$0x150];
	_ =	sdelay $0x4  }
0xf5: {  	v3 =	vand.u32 $0xFFFF, v2  }
0xf6: {  	v2 =	vshrl.u32 v2, $0x10;
	[tilespmem:$0x2850] =	vst v3  }
0xf7: {  	[tilespmem:$0x28D0] =	vst v2  }
0xf8: {  	v2 =	vld [tilespmem:s7+$0x160];
	_ =	sdelay $0x4  }
0xf9: {  	v3 =	vand.u32 $0xFFFF, v2  }
0xfa: {  	v2 =	vshrl.u32 v2, $0x10;
	[tilespmem:$0x2860] =	vst v3  }
0xfb: {  	[tilespmem:$0x28E0] =	vst v2  }
0xfc: {  	s2 =	simm.s32 $0x400;
	v2 =	vld [tilespmem:s7+$0x170]  }
.LBB2_4:
0xfd: {  	_ =	sdelay $0x1  }
0xfe: {  	p0 =	sne.s32 s2, $0x9800;
	s7 =	smov.u32 s2;
	s2 =	sadd.s32 $0x400, s2  }
0xff: {  	_ = 	snop  }
0x100: {  	v3 =	vand.u32 $0xFFFF, v2;
	v2 =	vshrl.u32 v2, $0x10  }
0x101: {  	[tilespmem:$0x2870] =	vst v3  }
0x102: {  	[tilespmem:$0x28F0] =	vst v2  }
0x103: {  	[tilespmem:s20], [sflag:$0x1] =	stream.indirect.gather [hbm4b:s0+s22], $0x80, s23, s22, $0xb8;
	[tilespmem:$0x1EF80] =	vst v63  }
0x104: {  	_ =	swait.ge [sflag:s30], $0x4000  }
0x105: {  	[sflag:s30] =	ssyncset.done $0x0  }
0x106: {  	[sflag:s30] =	ssyncadd.s32 $0xFFFFC000  }
0x107: {  	[spmem:s3] =	stream.indirect.scatter.add.f32 [tilespmem:s25], [sflag:$0x3], $0x80, s31, s22, $0xb8;
	[tilespmem:$0x1EF80] =	vst v63  }
0x108: {  	_ =	swait.ge [sflag:s21], $0x4000  }
0x109: {  	[sflag:s21] =	ssyncset.done $0x0  }
0x10a: {  	[sflag:s21] =	ssyncadd.s32 $0xFFFFC000  }
0x10b: {  	[spmem:s4] =	stream.indirect.scatter.add.f32 [tilespmem:s29], [sflag:$0x3], $0x1, s31, s22, $0xb8;
	[tilespmem:$0x1EF80] =	vst v63  }
0x10c: {  	_ =	swait.ge [sflag:s21], $0x80  }
0x10d: {  	[sflag:s21] =	ssyncset.done $0x0  }
0x10e: {  	s7 =	sshra.s32 s7, $0x2;
	[sflag:s21] =	ssyncadd.s32 $0xFFFFFF80  }
0x10f: {  	v2 =	vld [tilespmem:s7+$0x80];
	_ =	sdelay $0x4  }
0x110: {  	v3 =	vand.u32 $0xFFFF, v2;
	v2 =	vshrl.u32 v2, $0x10  }
0x111: {  	[tilespmem:$0x2900] =	vst v3  }
0x112: {  	[tilespmem:$0x2980] =	vst v2  }
0x113: {  	v2 =	vld [tilespmem:s7+$0x90];
	_ =	sdelay $0x4  }
0x114: {  	v3 =	vand.u32 $0xFFFF, v2;
	v2 =	vshrl.u32 v2, $0x10  }
0x115: {  	[tilespmem:$0x2910] =	vst v3  }
0x116: {  	[tilespmem:$0x2990] =	vst v2  }
0x117: {  	v2 =	vld [tilespmem:s7+$0xA0];
	_ =	sdelay $0x4  }
0x118: {  	v3 =	vand.u32 $0xFFFF, v2;
	v2 =	vshrl.u32 v2, $0x10  }
0x119: {  	[tilespmem:$0x2920] =	vst v3  }
0x11a: {  	[tilespmem:$0x29A0] =	vst v2  }
0x11b: {  	v2 =	vld [tilespmem:s7+$0xB0];
	_ =	sdelay $0x4  }
0x11c: {  	v3 =	vand.u32 $0xFFFF, v2;
	v2 =	vshrl.u32 v2, $0x10  }
0x11d: {  	[tilespmem:$0x2930] =	vst v3  }
0x11e: {  	[tilespmem:$0x29B0] =	vst v2  }
0x11f: {  	v2 =	vld [tilespmem:s7+$0xC0];
	_ =	sdelay $0x4  }
0x120: {  	v3 =	vand.u32 $0xFFFF, v2;
	v2 =	vshrl.u32 v2, $0x10  }
0x121: {  	[tilespmem:$0x2940] =	vst v3  }
0x122: {  	[tilespmem:$0x29C0] =	vst v2  }
0x123: {  	v2 =	vld [tilespmem:s7+$0xD0];
	_ =	sdelay $0x4  }
0x124: {  	v3 =	vand.u32 $0xFFFF, v2;
	v2 =	vshrl.u32 v2, $0x10  }
0x125: {  	[tilespmem:$0x2950] =	vst v3  }
0x126: {  	[tilespmem:$0x29D0] =	vst v2  }
0x127: {  	v2 =	vld [tilespmem:s7+$0xE0];
	_ =	sdelay $0x4  }
0x128: {  	v3 =	vand.u32 $0xFFFF, v2;
	v2 =	vshrl.u32 v2, $0x10  }
0x129: {  	[tilespmem:$0x2960] =	vst v3  }
0x12a: {  	[tilespmem:$0x29E0] =	vst v2  }
0x12b: {  	v2 =	vld [tilespmem:s7+$0xF0];
	_ =	sdelay $0x4  }
0x12c: {  	v3 =	vand.u32 $0xFFFF, v2;
	v2 =	vshrl.u32 v2, $0x10  }
0x12d: {  	[tilespmem:$0x2970] =	vst v3  }
0x12e: {  	[tilespmem:$0x29F0] =	vst v2  }
0x12f: {  	[tilespmem:s25], [sflag:$0x2] =	stream.indirect.gather [hbm4b:s0+s22], $0x80, s24, s22, $0xb8;
	[tilespmem:$0x1EF80] =	vst v63  }
0x130: {  	_ =	swait.ge [sflag:s26], $0x4000  }
0x131: {  	[sflag:s26] =	ssyncset.done $0x0  }
0x132: {  	[sflag:s26] =	ssyncadd.s32 $0xFFFFC000  }
0x133: {  	[spmem:s3] =	stream.indirect.scatter.add.f32 [tilespmem:s20], [sflag:$0x3], $0x80, s28, s22, $0xb8;
	[tilespmem:$0x1EF80] =	vst v63  }
0x134: {  	_ =	swait.ge [sflag:s21], $0x4000  }
0x135: {  	[sflag:s21] =	ssyncset.done $0x0  }
0x136: {  	[sflag:s21] =	ssyncadd.s32 $0xFFFFC000  }
0x137: {  	[spmem:s4] =	stream.indirect.scatter.add.f32 [tilespmem:s29], [sflag:$0x3], $0x1, s28, s22, $0xb8;
	[tilespmem:$0x1EF80] =	vst v63  }
0x138: {  	_ =	swait.ge [sflag:s21], $0x80  }
0x139: {  	[sflag:s21] =	ssyncset.done $0x0  }
0x13a: {  	[sflag:s21] =	ssyncadd.s32 $0xFFFFFF80  }
0x13b: {  	v2 =	vld [tilespmem:s7+$0x100];
	_ =	sdelay $0x4  }
0x13c: {  	v3 =	vand.u32 $0xFFFF, v2;
	v2 =	vshrl.u32 v2, $0x10  }
0x13d: {  	[tilespmem:$0x2800] =	vst v3  }
0x13e: {  	[tilespmem:$0x2880] =	vst v2  }
0x13f: {  	v2 =	vld [tilespmem:s7+$0x110];
	_ =	sdelay $0x4  }
0x140: {  	v3 =	vand.u32 $0xFFFF, v2;
	v2 =	vshrl.u32 v2, $0x10  }
0x141: {  	[tilespmem:$0x2810] =	vst v3  }
0x142: {  	[tilespmem:$0x2890] =	vst v2  }
0x143: {  	v2 =	vld [tilespmem:s7+$0x120];
	_ =	sdelay $0x4  }
0x144: {  	v3 =	vand.u32 $0xFFFF, v2;
	v2 =	vshrl.u32 v2, $0x10  }
0x145: {  	[tilespmem:$0x2820] =	vst v3  }
0x146: {  	[tilespmem:$0x28A0] =	vst v2  }
0x147: {  	v2 =	vld [tilespmem:s7+$0x130];
	_ =	sdelay $0x4  }
0x148: {  	v3 =	vand.u32 $0xFFFF, v2;
	v2 =	vshrl.u32 v2, $0x10  }
0x149: {  	[tilespmem:$0x2830] =	vst v3  }
0x14a: {  	[tilespmem:$0x28B0] =	vst v2  }
0x14b: {  	v2 =	vld [tilespmem:s7+$0x140];
	_ =	sdelay $0x4  }
0x14c: {  	v3 =	vand.u32 $0xFFFF, v2;
	v2 =	vshrl.u32 v2, $0x10  }
0x14d: {  	[tilespmem:$0x2840] =	vst v3  }
0x14e: {  	[tilespmem:$0x28C0] =	vst v2  }
0x14f: {  	v2 =	vld [tilespmem:s7+$0x150];
	_ =	sdelay $0x4  }
0x150: {  	v3 =	vand.u32 $0xFFFF, v2;
	v2 =	vshrl.u32 v2, $0x10  }
0x151: {  	[tilespmem:$0x2850] =	vst v3  }
0x152: {  	[tilespmem:$0x28D0] =	vst v2  }
0x153: {  	v2 =	vld [tilespmem:s7+$0x160];
	_ =	sdelay $0x3  }
.Ltmp1:
0x154: {  	(pc) =	sbr.rel @p0 .LBB2_4-.Ltmp1, $4  }
0x155: {  	v3 =	vand.u32 $0xFFFF, v2;
	v2 =	vshrl.u32 v2, $0x10  }
0x156: {  	[tilespmem:$0x2860] =	vst v3  }
0x157: {  	[tilespmem:$0x28E0] =	vst v2  }
0x158: {  	v2 =	vld [tilespmem:s7+$0x170]  }
0x159: {  	_ =	sdelay $0x3  }
0x15a: {  	v3 =	vand.u32 $0xFFFF, v2  }
0x15b: {  	v2 =	vshrl.u32 v2, $0x10;
	[tilespmem:$0x2870] =	vst v3  }
0x15c: {  	[tilespmem:$0x28F0] =	vst v2  }
0x15d: {  	[tilespmem:s20], [sflag:$0x1] =	stream.indirect.gather [hbm4b:s0+s22], $0x80, s23, s22, $0xb8;
	[tilespmem:$0x1EF80] =	vst v63  }
0x15e: {  	_ =	swait.ge [sflag:s30], $0x4000  }
0x15f: {  	[sflag:s30] =	ssyncset.done $0x0  }
0x160: {  	[sflag:s30] =	ssyncadd.s32 $0xFFFFC000  }
0x161: {  	[spmem:s3] =	stream.indirect.scatter.add.f32 [tilespmem:s25], [sflag:$0x3], $0x80, s31, s22, $0xb8;
	[tilespmem:$0x1EF80] =	vst v63  }
0x162: {  	_ =	swait.ge [sflag:s21], $0x4000  }
0x163: {  	[sflag:s21] =	ssyncset.done $0x0  }
0x164: {  	[sflag:s21] =	ssyncadd.s32 $0xFFFFC000  }
0x165: {  	[spmem:s4] =	stream.indirect.scatter.add.f32 [tilespmem:s29], [sflag:$0x3], $0x1, s31, s22, $0xb8;
	[tilespmem:$0x1EF80] =	vst v63  }
0x166: {  	_ =	swait.ge [sflag:s21], $0x80  }
0x167: {  	[sflag:s21] =	ssyncset.done $0x0  }
0x168: {  	[sflag:s21] =	ssyncadd.s32 $0xFFFFFF80  }
0x169: {  	_ =	swait.ge [sflag:s26], $0x4000  }
0x16a: {  	[sflag:s26] =	ssyncset.done $0x0  }
0x16b: {  	[sflag:s26] =	ssyncadd.s32 $0xFFFFC000  }
0x16c: {  	[spmem:s3] =	stream.indirect.scatter.add.f32 [tilespmem:s20], [sflag:$0x3], $0x80, s28, s22, $0xb8;
	[tilespmem:$0x1EF80] =	vst v63  }
0x16d: {  	_ =	swait.ge [sflag:s21], $0x4000  }
0x16e: {  	[sflag:s21] =	ssyncset.done $0x0  }
0x16f: {  	[sflag:s21] =	ssyncadd.s32 $0xFFFFC000  }
0x170: {  	[spmem:s4] =	stream.indirect.scatter.add.f32 [tilespmem:s29], [sflag:$0x3], $0x1, s28, s22, $0xb8;
	[tilespmem:$0x1EF80] =	vst v63  }
0x171: {  	_ =	swait.ge [sflag:s21], $0x80  }
0x172: {  	s2 =	stileid.u32;
	[sflag:s21] =	ssyncset.done $0x0  }
0x173: {  	s2 =	sshll.u32 s2, $0x6;
	[sflag:s21] =	ssyncadd.s32 $0xFFFFFF80  }
0x174: {  	s7 =	sshrl.u32 s6, $0x3;
	s2 =	sor.u32 $0x1C03, s2;
	[bflag:$0x0] =	sbarrier.arrive $0xFFFF  }
0x175: {  	[hbm:s17], [sflag:s2] =	dma.local [spmem:s7], $0x2800  }
0x176: {  	_ =	swait.ge [sflag:s21], $0x2800  }
0x177: {  	[sflag:s21] =	ssyncset.done $0x0  }
0x178: {  	[sflag:s21] =	ssyncadd.s32 $0xFFFFD800  }
0x179: {  	[tilespmem:s1], [sflag:$0x3] =	stream.linear.gather [spmem:s11], $0x280, $0x38;
	[tilespmem:$0x1EF80] =	vst v63  }
0x17a: {  	s5 =	sadd.s32 $0x1, s5;
	_ =	swait.ge [sflag:s21], $0x280  }
0x17b: {  	p0 =	sne.s32 s5, s18;
	[sflag:s21] =	ssyncset.done $0x0  }
.Ltmp2:
0x17c: {  	s7 =	simm.s32 $0x0;
	[sflag:s21] =	ssyncadd.s32 $0xFFFFFD80;
	(pc) =	sbr.rel @p0 .LBB2_1-.Ltmp2, $4  }
0x17d: {  	[hbm4b:s19+s7] =	stream.linear.scatter [tilespmem:s1], [sflag:$0x3], $0x280, $0x38;
	[tilespmem:$0x1EF80] =	vst v63  }
0x17e: {  	_ =	swait.ge [sflag:s21], $0x280  }
0x17f: {  	[sflag:s21] =	ssyncset.done $0x0  }
0x180: {  	[sflag:s21] =	ssyncadd.s32 $0xFFFFFD80  }
0x181: {  	_ =	sfence.sel $0x180000  }
0x182: {  	[bflag:$0x0] =	sbarrier.arrive $0xFFFF  }
0x183: {  	_ =	strace $0x90000047  }
0x184: {  	s0 =	stileid.u32;
	[bflag:$0x2] =	sbarrier.arrive $0xFFFF  }
0x185: {  	p0 =	sne.s32 s0, $0x0;
	s0 =	rddreg [dreg:$0x5]  }
0x186: {  	s0 =	sadd.s32 @!p0 $0x100000, s0  }
0x187: {  	[sflag:s0] =	ssyncadd.tile.s32 @!p0 $0x1;
	_ =	shalt  }
.Lfunc_end2:
_tile_overlayer_lowered:
.L_overlay_start_2:
0x188: {  	(tag) =	ssettag $0x2  }
0x189: {  	s0 =	rddreg [dreg:$0x0];
	s2 =	stileid.u32  }
0x18a: {  	s1 =	rddreg [dreg:$0x1];
	p0 =	sne.s32 s2, $0x0  }
0x18b: {  	s3 =	rddreg [dreg:$0x2];
	[bflag:$0x3] =	sbarrier.arrive $0xFFFF;
	s2 =	simm.s32 @!p0 $0x1C03  }
0x18c: {  	[timem:s3], [sflag:s2] =	dma.local @!p0 [hbm:s0], s1  }
0x18d: {  	s0 =	simm.s32 @!p0 $0x3  }
0x18e: {  	_ =	swait.ge @!p0 [sflag:s0], s1  }
0x18f: {  	s1 =	ssub.s32 @!p0 $0x0, s1;
	[sflag:s0] =	ssyncset.done @!p0 $0x0  }
0x190: {  	[sflag:s0] =	ssyncadd.s32 @!p0 s1  }
0x191: {  	[bflag:$0x3] =	sbarrier.arrive $0xFFFF  }
0x192: {  	_ =	shalt  }

</sc_bundles>
